<compile_context>
chip_gen: v7x
topology: tpu7x:2x2x1
jax: 0.10.2.dev20260603
libtpu: 0.0.44.dev20260713+nightly
codegen_flags: <defaults>
</compile_context>

<pallas_src>
import functools

import jax
import jax.numpy as jnp
from jax import lax
from jax.experimental import pallas as pl
from jax.experimental.pallas import tpu as pltpu
from jax.experimental.pallas import tpu_sc as plsc

N_NODES = 10000
N_EDGES = 320000
D = 128
N_CLASSES = 40

NC = 2
NS = 16
NW = NC * NS
CHUNK = 128
NCH = 80
EPW = CHUNK * NCH
E_PAD = EPW * NW
SCRAP = N_NODES
NPAD = 10240
RPT = NPAD // NS

_mesh = plsc.VectorSubcoreMesh(core_axis_name="c", subcore_axis_name="s")


@functools.partial(
    pl.kernel,
    out_type=jax.ShapeDtypeStruct((NC, NPAD), jnp.float32),
    mesh=_mesh,
    scratch_types=[
        pltpu.VMEM_SHARED((NPAD,), jnp.float32),
        pltpu.VMEM((CHUNK,), jnp.int32),
        pltpu.VMEM((CHUNK,), jnp.float32),
    ],
)
def _sc_degree_1d(dst_hbm, ones_hbm, zero_hbm, out_hbm, acc, didx, ones_v):
    c = lax.axis_index("c")
    s = lax.axis_index("s")
    wid = c * NS + s
    row0 = pl.multiple_of(s * RPT, 8)
    pltpu.sync_copy(zero_hbm, acc.at[pl.ds(row0, RPT)])
    pltpu.sync_copy(ones_hbm, ones_v)
    plsc.subcore_barrier()
    base = wid * EPW

    def body(j, carry):
        off = pl.multiple_of(base + j * CHUNK, 8)
        pltpu.sync_copy(dst_hbm.at[pl.ds(off, CHUNK)], didx)
        pltpu.sync_copy(ones_v, acc.at[didx], add=True)
        return carry

    lax.fori_loop(0, NCH, body, 0)
    plsc.subcore_barrier()
    pltpu.sync_copy(acc.at[pl.ds(row0, RPT)], out_hbm.at[c, pl.ds(row0, RPT)])


@functools.partial(
    pl.kernel,
    out_type=jax.ShapeDtypeStruct((NC, NPAD, D), jnp.float32),
    mesh=_mesh,
    scratch_types=[
        pltpu.VMEM_SHARED((NPAD, D), jnp.float32),
        pltpu.VMEM((CHUNK,), jnp.int32),
        pltpu.VMEM((CHUNK,), jnp.int32),
        pltpu.VMEM((CHUNK, D), jnp.float32),
        pltpu.SemaphoreType.DMA,
    ],
)
def _sc_aggregate(g_hbm, src_hbm, dst_hbm, zero_hbm, out_hbm,
                  acc, sidx, didx, rows, sem):
    c = lax.axis_index("c")
    s = lax.axis_index("s")
    wid = c * NS + s
    row0 = pl.multiple_of(s * RPT, 8)
    pltpu.sync_copy(zero_hbm, acc.at[pl.ds(row0, RPT)])
    plsc.subcore_barrier()
    base = wid * EPW

    def body(j, carry):
        off = pl.multiple_of(base + j * CHUNK, 8)
        pltpu.sync_copy(src_hbm.at[pl.ds(off, CHUNK)], sidx)
        pltpu.sync_copy(dst_hbm.at[pl.ds(off, CHUNK)], didx)
        pltpu.async_copy(g_hbm.at[sidx], rows, sem).wait()
        pltpu.sync_copy(rows, acc.at[didx], add=True)
        return carry

    lax.fori_loop(0, NCH, body, 0)
    plsc.subcore_barrier()
    pltpu.sync_copy(acc.at[pl.ds(row0, RPT)], out_hbm.at[c, pl.ds(row0, RPT)])


BR = 1000
GB = N_NODES // BR


def _dinv_of(deg_ref):
    d = deg_ref[0] + deg_ref[1] + 1.0
    return lax.rsqrt(d)


def _tc1_body(deg_ref, x_ref, w1_ref, g1_ref):
    dinv = _dinv_of(deg_ref)
    h = jnp.dot(x_ref[...], w1_ref[...], preferred_element_type=jnp.float32)
    g1_ref[...] = h * dinv


_tc1 = pl.pallas_call(
    _tc1_body,
    grid=(GB,),
    in_specs=[
        pl.BlockSpec((NC, BR, 1), lambda i: (0, i, 0)),
        pl.BlockSpec((BR, D), lambda i: (i, 0)),
        pl.BlockSpec((D, D), lambda i: (0, 0)),
    ],
    out_specs=pl.BlockSpec((BR, D), lambda i: (i, 0)),
    out_shape=jax.ShapeDtypeStruct((N_NODES, D), jnp.float32),
)


def _tc2_body(deg_ref, s1_ref, g1_ref, b1_ref, w2_ref, g2_ref):
    dinv = _dinv_of(deg_ref)
    agg = (s1_ref[0] + s1_ref[1] + g1_ref[...]) * dinv + b1_ref[...]
    h = jnp.maximum(agg, 0.0)
    g2_ref[...] = jnp.dot(h, w2_ref[...],
                          preferred_element_type=jnp.float32) * dinv


_tc2 = pl.pallas_call(
    _tc2_body,
    grid=(GB,),
    in_specs=[
        pl.BlockSpec((NC, BR, 1), lambda i: (0, i, 0)),
        pl.BlockSpec((NC, BR, D), lambda i: (0, i, 0)),
        pl.BlockSpec((BR, D), lambda i: (i, 0)),
        pl.BlockSpec((1, D), lambda i: (0, 0)),
        pl.BlockSpec((D, D), lambda i: (0, 0)),
    ],
    out_specs=pl.BlockSpec((BR, D), lambda i: (i, 0)),
    out_shape=jax.ShapeDtypeStruct((N_NODES, D), jnp.float32),
)


def _tc3_body(deg_ref, s2_ref, g2_ref, b2_ref, wc_ref, bc_ref, out_ref):
    dinv = _dinv_of(deg_ref)
    h = (s2_ref[0] + s2_ref[1] + g2_ref[...]) * dinv + b2_ref[...]
    logits = jnp.dot(h, wc_ref[...],
                     preferred_element_type=jnp.float32) + bc_ref[...]
    m = jnp.max(logits, axis=1, keepdims=True)
    z = logits - m
    lse = jnp.log(jnp.sum(jnp.exp(z), axis=1, keepdims=True))
    out_ref[...] = z - lse


_tc3 = pl.pallas_call(
    _tc3_body,
    grid=(GB,),
    in_specs=[
        pl.BlockSpec((NC, BR, 1), lambda i: (0, i, 0)),
        pl.BlockSpec((NC, BR, D), lambda i: (0, i, 0)),
        pl.BlockSpec((BR, D), lambda i: (i, 0)),
        pl.BlockSpec((1, D), lambda i: (0, 0)),
        pl.BlockSpec((D, D), lambda i: (0, 0)),
        pl.BlockSpec((1, D), lambda i: (0, 0)),
    ],
    out_specs=pl.BlockSpec((BR, D), lambda i: (i, 0)),
    out_shape=jax.ShapeDtypeStruct((N_NODES, D), jnp.float32),
)


def kernel(x, edge_index, W1, b1, W2, b2, Wc, bc):
    src = edge_index[0].astype(jnp.int32)
    dst = edge_index[1].astype(jnp.int32)
    pad = E_PAD - N_EDGES
    src_p = jnp.concatenate([src, jnp.zeros((pad,), jnp.int32)])
    scrap = SCRAP + jnp.arange(pad, dtype=jnp.int32) % (NPAD - SCRAP)
    dst_p = jnp.concatenate([dst, scrap])

    ones_w = jnp.ones((CHUNK,), jnp.float32)
    zero_w = jnp.zeros((RPT,), jnp.float32)
    zero_d = jnp.zeros((RPT, D), jnp.float32)

    deg2 = _sc_degree_1d(dst_p, ones_w, zero_w).reshape(NC, NPAD, 1)
    g1 = _tc1(deg2, x, W1)
    s1 = _sc_aggregate(g1, src_p, dst_p, zero_d)
    g2 = _tc2(deg2, s1, g1, b1.reshape(1, D), W2)
    s2 = _sc_aggregate(g2, src_p, dst_p, zero_d)
    wc_pad = jnp.concatenate(
        [Wc, jnp.zeros((D, D - N_CLASSES), jnp.float32)], axis=1)
    bc_pad = jnp.concatenate(
        [bc, jnp.full((D - N_CLASSES,), -1e30, jnp.float32)]).reshape(1, D)
    out = _tc3(deg2, s2, g2, b2.reshape(1, D), wc_pad, bc_pad)
    return out[:, :N_CLASSES]

# --- scband reference (transcript-rebuilt; emitter-appended) ---
"""Pipeline reference for scband-gnnnode-classifier-38920993636494 (READ-ONLY COPY).

The authoritative reference and input builder live on the scoring server;
editing this copy changes nothing except your own understanding.
"""

import jax, jax.numpy as jnp
import numpy as np

N_NODES = 10000
N_EDGES = 320000
D_IN = 128
D_HID = 128
N_CLASSES = 40


def setup_inputs(seed: int = 0) -> dict:
    key = jax.random.key(seed)
    ks = jax.random.split(key, 8)
    x = jax.random.normal(ks[0], (N_NODES, D_IN), dtype=jnp.float32)
    edge_index = jax.random.randint(ks[1], (2, N_EDGES), 0, N_NODES, dtype=jnp.int64)
    s1 = 1.0 / np.sqrt(D_IN)
    s2 = 1.0 / np.sqrt(D_HID)
    W1 = jax.random.uniform(ks[2], (D_IN, D_HID), dtype=jnp.float32, minval=-s1, maxval=s1)
    b1 = jnp.zeros((D_HID,), dtype=jnp.float32)
    W2 = jax.random.uniform(ks[3], (D_HID, D_HID), dtype=jnp.float32, minval=-s2, maxval=s2)
    b2 = jnp.zeros((D_HID,), dtype=jnp.float32)
    Wc = jax.random.uniform(ks[4], (D_HID, N_CLASSES), dtype=jnp.float32, minval=-s2, maxval=s2)
    bc = jax.random.uniform(ks[5], (N_CLASSES,), dtype=jnp.float32, minval=-s2, maxval=s2)
    return {"x": x, "edge_index": edge_index, "W1": W1, "b1": b1, "W2": W2, "b2": b2, "Wc": Wc, "bc": bc}


def _gcn_conv(x, src, dst, norm, W, b, num_nodes):
    # linear transform then normalized scatter-add aggregation (GCNConv semantics)
    h = x @ W
    msg = h[src] * norm[:, None]
    out = jnp.zeros((num_nodes, h.shape[1]), dtype=h.dtype).at[dst].add(msg)
    return out + b


def reference(x, edge_index, W1, b1, W2, b2, Wc, bc):
    num_nodes = x.shape[0]
    # add self-loops
    loop = jnp.arange(num_nodes, dtype=edge_index.dtype)
    src = jnp.concatenate([edge_index[0], loop])
    dst = jnp.concatenate([edge_index[1], loop])
    # symmetric normalization deg^-1/2 A_hat deg^-1/2 (deg computed on dst, incl. self-loops)
    deg = jnp.zeros((num_nodes,), dtype=jnp.float32).at[dst].add(1.0)
    dinv = jnp.where(deg > 0, 1.0 / jnp.sqrt(deg), 0.0)
    norm = dinv[src] * dinv[dst]
    h = _gcn_conv(x, src, dst, norm, W1, b1, num_nodes)
    h = jax.nn.relu(h)
    h = _gcn_conv(h, src, dst, norm, W2, b2, num_nodes)
    logits = h @ Wc + bc
    return jax.nn.log_softmax(logits, axis=1)

if __name__ == "__main__":
    import jax
    _d = setup_inputs()
    print(jax.jit(kernel)(*tuple(_d.values())))

</pallas_src>

<mosaic_0001>
#map = affine_map<(d0, d1) -> (0)>
#map1 = affine_map<(d0, d1) -> (0, 0)>
module attributes {stable_mosaic.version = 14 : i64} {
  func.func @_sc_degree_1d(%arg0: i32, %arg1: i32, %arg2: memref<327680xi32, #tpu.memory_space<hbm>>, %arg3: memref<128xf32, #tpu.memory_space<hbm>>, %arg4: memref<640xf32, #tpu.memory_space<hbm>>, %arg5: memref<2x10240xf32, #tpu.memory_space<hbm>>, %arg6: memref<10240xf32, #tpu.memory_space<vmem_shared>>, %arg7: memref<128xi32, #tpu.memory_space<vmem>>, %arg8: memref<128xf32, #tpu.memory_space<vmem>>) attributes {dimension_semantics = [#tpu.dimension_semantics<core_parallel>, #tpu.dimension_semantics<subcore_parallel>], iteration_bounds = array<i64: 2, 16>, scalar_prefetch = 0 : i64, scratch_operands = 3 : i64, tpu.core_type = #tpu.core_type<sc_vector_subcore>, window_params = [{transform_indices = #map}, {transform_indices = #map}, {transform_indices = #map}, {transform_indices = #map1}]} {
    %mul3A = arith.constant 16 : i32
    %mul3A_0 = arith.muli %arg0, %mul3A : i32
    %add3A = arith.addi %mul3A_0, %arg1 : i32
    %mul3A_1 = arith.constant 640 : i32
    %mul3A_2 = arith.muli %arg1, %mul3A_1 : i32
    %multiple_of3A = tpu.assume_multiple %mul3A_2, 8 : i32
    "tpu.region"() ({
      %run_scoped3A = tpu.sem_alloc : memref<!tpu.dma_semaphore, #tpu.memory_space<semaphore_mem>>
      %dma_start3A = tpu.memref_slice %arg6[%multiple_of3A] : memref<10240xf32, #tpu.memory_space<vmem_shared>> -> memref<640xf32, #tpu.memory_space<vmem_shared>>
      tpu.enqueue_dma source(%arg4 : memref<640xf32, #tpu.memory_space<hbm>>) target(%dma_start3A : memref<640xf32, #tpu.memory_space<vmem_shared>>) target_semaphore(%run_scoped3A : memref<!tpu.dma_semaphore, #tpu.memory_space<semaphore_mem>>)
      %dma_wait3A = tpu.memref_slice %arg6[%multiple_of3A] : memref<10240xf32, #tpu.memory_space<vmem_shared>> -> memref<640xf32, #tpu.memory_space<vmem_shared>>
      tpu.wait_dma2 semaphore(%run_scoped3A : memref<!tpu.dma_semaphore, #tpu.memory_space<semaphore_mem>>) src(%arg4 : memref<640xf32, #tpu.memory_space<hbm>>) dst(%dma_wait3A : memref<640xf32, #tpu.memory_space<vmem_shared>>)
      tpu.yield
    }) : () -> ()
    "tpu.region"() ({
      %run_scoped3A = tpu.sem_alloc : memref<!tpu.dma_semaphore, #tpu.memory_space<semaphore_mem>>
      tpu.enqueue_dma source(%arg3 : memref<128xf32, #tpu.memory_space<hbm>>) target(%arg8 : memref<128xf32, #tpu.memory_space<vmem>>) target_semaphore(%run_scoped3A : memref<!tpu.dma_semaphore, #tpu.memory_space<semaphore_mem>>)
      tpu.wait_dma2 semaphore(%run_scoped3A : memref<!tpu.dma_semaphore, #tpu.memory_space<semaphore_mem>>) src(%arg3 : memref<128xf32, #tpu.memory_space<hbm>>) dst(%arg8 : memref<128xf32, #tpu.memory_space<vmem>>)
      tpu.yield
    }) : () -> ()
    %barrier3A = arith.constant 0 : index
    tpu.barrier barrier_id(%barrier3A)
    %mul3A_3 = arith.constant 10240 : i32
    %mul3A_4 = arith.muli %add3A, %mul3A_3 : i32
    %scan3A = arith.constant 0 : i32
    %scan3A_5 = arith.constant 0 : i32
    %scan3A_6 = arith.constant 80 : i32
    %scan3A_7 = arith.addi %scan3A_5, %scan3A_6 : i32
    %scan3A_8 = arith.constant 1 : i32
    scf.for %scan3A_11 = %scan3A_5 to %scan3A_7 step %scan3A_8  : i32 {
      %mul3A_12 = arith.constant 128 : i32
      %mul3A_13 = arith.muli %scan3A_11, %mul3A_12 : i32
      %add3A_14 = arith.addi %mul3A_4, %mul3A_13 : i32
      %multiple_of3A_15 = tpu.assume_multiple %add3A_14, 8 : i32
      "tpu.region"() ({
        %run_scoped3A = tpu.sem_alloc : memref<!tpu.dma_semaphore, #tpu.memory_space<semaphore_mem>>
        %dma_start3A = tpu.memref_slice %arg2[%multiple_of3A_15] : memref<327680xi32, #tpu.memory_space<hbm>> -> memref<128xi32, #tpu.memory_space<hbm>>
        %dma_start3A_16 = tpu.memref_slice %arg2[%multiple_of3A_15] : memref<327680xi32, #tpu.memory_space<hbm>> -> memref<128xi32, #tpu.memory_space<hbm>>
        tpu.enqueue_dma source(%dma_start3A_16 : memref<128xi32, #tpu.memory_space<hbm>>) target(%arg7 : memref<128xi32, #tpu.memory_space<vmem>>) target_semaphore(%run_scoped3A : memref<!tpu.dma_semaphore, #tpu.memory_space<semaphore_mem>>)
        %dma_wait3A = tpu.memref_slice %arg2[%multiple_of3A_15] : memref<327680xi32, #tpu.memory_space<hbm>> -> memref<128xi32, #tpu.memory_space<hbm>>
        %dma_wait3A_17 = tpu.memref_slice %arg2[%multiple_of3A_15] : memref<327680xi32, #tpu.memory_space<hbm>> -> memref<128xi32, #tpu.memory_space<hbm>>
        tpu.wait_dma2 semaphore(%run_scoped3A : memref<!tpu.dma_semaphore, #tpu.memory_space<semaphore_mem>>) src(%dma_wait3A_17 : memref<128xi32, #tpu.memory_space<hbm>>) dst(%arg7 : memref<128xi32, #tpu.memory_space<vmem>>)
        tpu.yield
      }) : () -> ()
      "tpu.region"() ({
        %run_scoped3A = tpu.sem_alloc : memref<!tpu.dma_semaphore, #tpu.memory_space<semaphore_mem>>
        %dma_start3A = arith.constant 0 : i32
        %dma_start3A_16 = tpu.memref_slice %arg6[%dma_start3A] : memref<10240xf32, #tpu.memory_space<vmem_shared>> -> memref<10240xf32, #tpu.memory_space<vmem_shared>>
        tpu.enqueue_indirect_dma source(%arg8 : memref<128xf32, #tpu.memory_space<vmem>>) target(%dma_start3A_16 : memref<10240xf32, #tpu.memory_space<vmem_shared>>) offsets(%arg7 : memref<128xi32, #tpu.memory_space<vmem>>) semaphore(%run_scoped3A : memref<!tpu.dma_semaphore, #tpu.memory_space<semaphore_mem>>) {add = true}
        %dma_wait3A = arith.constant 0 : i32
        %dma_wait3A_17 = tpu.memref_slice %arg6[%dma_wait3A] : memref<10240xf32, #tpu.memory_space<vmem_shared>> -> memref<10240xf32, #tpu.memory_space<vmem_shared>>
        tpu.wait_indirect_dma semaphore(%run_scoped3A : memref<!tpu.dma_semaphore, #tpu.memory_space<semaphore_mem>>) src(%arg8 : memref<128xf32, #tpu.memory_space<vmem>>) dst(%dma_wait3A_17 : memref<10240xf32, #tpu.memory_space<vmem_shared>>)
        tpu.yield
      }) : () -> ()
    }
    %scan3A_9 = arith.constant 80 : i32
    %barrier3A_10 = arith.constant 0 : index
    tpu.barrier barrier_id(%barrier3A_10)
    "tpu.region"() ({
      %run_scoped3A = tpu.sem_alloc : memref<!tpu.dma_semaphore, #tpu.memory_space<semaphore_mem>>
      %dma_start3A = tpu.memref_slice %arg5[%arg0, %multiple_of3A] : memref<2x10240xf32, #tpu.memory_space<hbm>> -> memref<1x640xf32, #tpu.memory_space<hbm>>
      %dma_start3A_11 = tpu.memref_squeeze %dma_start3A : memref<1x640xf32, #tpu.memory_space<hbm>> -> memref<640xf32, #tpu.memory_space<hbm>>
      %dma_start3A_12 = tpu.memref_slice %arg6[%multiple_of3A] : memref<10240xf32, #tpu.memory_space<vmem_shared>> -> memref<640xf32, #tpu.memory_space<vmem_shared>>
      tpu.enqueue_dma source(%dma_start3A_12 : memref<640xf32, #tpu.memory_space<vmem_shared>>) target(%dma_start3A_11 : memref<640xf32, #tpu.memory_space<hbm>>) target_semaphore(%run_scoped3A : memref<!tpu.dma_semaphore, #tpu.memory_space<semaphore_mem>>)
      %dma_wait3A = tpu.memref_slice %arg5[%arg0, %multiple_of3A] : memref<2x10240xf32, #tpu.memory_space<hbm>> -> memref<1x640xf32, #tpu.memory_space<hbm>>
      %dma_wait3A_13 = tpu.memref_squeeze %dma_wait3A : memref<1x640xf32, #tpu.memory_space<hbm>> -> memref<640xf32, #tpu.memory_space<hbm>>
      %dma_wait3A_14 = tpu.memref_slice %arg6[%multiple_of3A] : memref<10240xf32, #tpu.memory_space<vmem_shared>> -> memref<640xf32, #tpu.memory_space<vmem_shared>>
      tpu.wait_dma2 semaphore(%run_scoped3A : memref<!tpu.dma_semaphore, #tpu.memory_space<semaphore_mem>>) src(%dma_wait3A_14 : memref<640xf32, #tpu.memory_space<vmem_shared>>) dst(%dma_wait3A_13 : memref<640xf32, #tpu.memory_space<hbm>>)
      tpu.yield
    }) : () -> ()
    return
  }
}

#map = affine_map<(d0, d1) -> (0, 0)>
#map1 = affine_map<(d0, d1) -> (0)>
#map2 = affine_map<(d0, d1) -> (0, 0, 0)>
module attributes {stable_mosaic.version = 14 : i64} {
  func.func @_sc_aggregate(%arg0: i32, %arg1: i32, %arg2: memref<10000x128xf32, #tpu.memory_space<hbm>>, %arg3: memref<327680xi32, #tpu.memory_space<hbm>>, %arg4: memref<327680xi32, #tpu.memory_space<hbm>>, %arg5: memref<640x128xf32, #tpu.memory_space<hbm>>, %arg6: memref<2x10240x128xf32, #tpu.memory_space<hbm>>, %arg7: memref<10240x128xf32, #tpu.memory_space<vmem_shared>>, %arg8: memref<128xi32, #tpu.memory_space<vmem>>, %arg9: memref<128xi32, #tpu.memory_space<vmem>>, %arg10: memref<128x128xf32, #tpu.memory_space<vmem>>, %arg11: memref<!tpu.dma_semaphore, #tpu.memory_space<semaphore_mem>>) attributes {dimension_semantics = [#tpu.dimension_semantics<core_parallel>, #tpu.dimension_semantics<subcore_parallel>], iteration_bounds = array<i64: 2, 16>, scalar_prefetch = 0 : i64, scratch_operands = 5 : i64, tpu.core_type = #tpu.core_type<sc_vector_subcore>, window_params = [{transform_indices = #map}, {transform_indices = #map1}, {transform_indices = #map1}, {transform_indices = #map}, {transform_indices = #map2}]} {
    %mul3A = arith.constant 16 : i32
    %mul3A_0 = arith.muli %arg0, %mul3A : i32
    %add3A = arith.addi %mul3A_0, %arg1 : i32
    %mul3A_1 = arith.constant 640 : i32
    %mul3A_2 = arith.muli %arg1, %mul3A_1 : i32
    %multiple_of3A = tpu.assume_multiple %mul3A_2, 8 : i32
    "tpu.region"() ({
      %run_scoped3A = tpu.sem_alloc : memref<!tpu.dma_semaphore, #tpu.memory_space<semaphore_mem>>
      %dma_start3A = arith.constant 0 : i32
      %dma_start3A_11 = tpu.memref_slice %arg7[%multiple_of3A, %dma_start3A] : memref<10240x128xf32, #tpu.memory_space<vmem_shared>> -> memref<640x128xf32, #tpu.memory_space<vmem_shared>>
      tpu.enqueue_dma source(%arg5 : memref<640x128xf32, #tpu.memory_space<hbm>>) target(%dma_start3A_11 : memref<640x128xf32, #tpu.memory_space<vmem_shared>>) target_semaphore(%run_scoped3A : memref<!tpu.dma_semaphore, #tpu.memory_space<semaphore_mem>>)
      %dma_wait3A = arith.constant 0 : i32
      %dma_wait3A_12 = tpu.memref_slice %arg7[%multiple_of3A, %dma_wait3A] : memref<10240x128xf32, #tpu.memory_space<vmem_shared>> -> memref<640x128xf32, #tpu.memory_space<vmem_shared>>
      tpu.wait_dma2 semaphore(%run_scoped3A : memref<!tpu.dma_semaphore, #tpu.memory_space<semaphore_mem>>) src(%arg5 : memref<640x128xf32, #tpu.memory_space<hbm>>) dst(%dma_wait3A_12 : memref<640x128xf32, #tpu.memory_space<vmem_shared>>)
      tpu.yield
    }) : () -> ()
    %barrier3A = arith.constant 0 : index
    tpu.barrier barrier_id(%barrier3A)
    %mul3A_3 = arith.constant 10240 : i32
    %mul3A_4 = arith.muli %add3A, %mul3A_3 : i32
    %scan3A = arith.constant 0 : i32
    %scan3A_5 = arith.constant 0 : i32
    %scan3A_6 = arith.constant 80 : i32
    %scan3A_7 = arith.addi %scan3A_5, %scan3A_6 : i32
    %scan3A_8 = arith.constant 1 : i32
    scf.for %scan3A_11 = %scan3A_5 to %scan3A_7 step %scan3A_8  : i32 {
      %mul3A_12 = arith.constant 128 : i32
      %mul3A_13 = arith.muli %scan3A_11, %mul3A_12 : i32
      %add3A_14 = arith.addi %mul3A_4, %mul3A_13 : i32
      %multiple_of3A_15 = tpu.assume_multiple %add3A_14, 8 : i32
      "tpu.region"() ({
        %run_scoped3A = tpu.sem_alloc : memref<!tpu.dma_semaphore, #tpu.memory_space<semaphore_mem>>
        %dma_start3A_20 = tpu.memref_slice %arg3[%multiple_of3A_15] : memref<327680xi32, #tpu.memory_space<hbm>> -> memref<128xi32, #tpu.memory_space<hbm>>
        %dma_start3A_21 = tpu.memref_slice %arg3[%multiple_of3A_15] : memref<327680xi32, #tpu.memory_space<hbm>> -> memref<128xi32, #tpu.memory_space<hbm>>
        tpu.enqueue_dma source(%dma_start3A_21 : memref<128xi32, #tpu.memory_space<hbm>>) target(%arg8 : memref<128xi32, #tpu.memory_space<vmem>>) target_semaphore(%run_scoped3A : memref<!tpu.dma_semaphore, #tpu.memory_space<semaphore_mem>>)
        %dma_wait3A_22 = tpu.memref_slice %arg3[%multiple_of3A_15] : memref<327680xi32, #tpu.memory_space<hbm>> -> memref<128xi32, #tpu.memory_space<hbm>>
        %dma_wait3A_23 = tpu.memref_slice %arg3[%multiple_of3A_15] : memref<327680xi32, #tpu.memory_space<hbm>> -> memref<128xi32, #tpu.memory_space<hbm>>
        tpu.wait_dma2 semaphore(%run_scoped3A : memref<!tpu.dma_semaphore, #tpu.memory_space<semaphore_mem>>) src(%dma_wait3A_23 : memref<128xi32, #tpu.memory_space<hbm>>) dst(%arg8 : memref<128xi32, #tpu.memory_space<vmem>>)
        tpu.yield
      }) : () -> ()
      "tpu.region"() ({
        %run_scoped3A = tpu.sem_alloc : memref<!tpu.dma_semaphore, #tpu.memory_space<semaphore_mem>>
        %dma_start3A_20 = tpu.memref_slice %arg4[%multiple_of3A_15] : memref<327680xi32, #tpu.memory_space<hbm>> -> memref<128xi32, #tpu.memory_space<hbm>>
        %dma_start3A_21 = tpu.memref_slice %arg4[%multiple_of3A_15] : memref<327680xi32, #tpu.memory_space<hbm>> -> memref<128xi32, #tpu.memory_space<hbm>>
        tpu.enqueue_dma source(%dma_start3A_21 : memref<128xi32, #tpu.memory_space<hbm>>) target(%arg9 : memref<128xi32, #tpu.memory_space<vmem>>) target_semaphore(%run_scoped3A : memref<!tpu.dma_semaphore, #tpu.memory_space<semaphore_mem>>)
        %dma_wait3A_22 = tpu.memref_slice %arg4[%multiple_of3A_15] : memref<327680xi32, #tpu.memory_space<hbm>> -> memref<128xi32, #tpu.memory_space<hbm>>
        %dma_wait3A_23 = tpu.memref_slice %arg4[%multiple_of3A_15] : memref<327680xi32, #tpu.memory_space<hbm>> -> memref<128xi32, #tpu.memory_space<hbm>>
        tpu.wait_dma2 semaphore(%run_scoped3A : memref<!tpu.dma_semaphore, #tpu.memory_space<semaphore_mem>>) src(%dma_wait3A_23 : memref<128xi32, #tpu.memory_space<hbm>>) dst(%arg9 : memref<128xi32, #tpu.memory_space<vmem>>)
        tpu.yield
      }) : () -> ()
      %dma_start3A = arith.constant 0 : i32
      %dma_start3A_16 = arith.constant 0 : i32
      %dma_start3A_17 = tpu.memref_slice %arg2[%dma_start3A, %dma_start3A_16] : memref<10000x128xf32, #tpu.memory_space<hbm>> -> memref<10000x128xf32, #tpu.memory_space<hbm>>
      tpu.enqueue_indirect_dma source(%dma_start3A_17 : memref<10000x128xf32, #tpu.memory_space<hbm>>) target(%arg10 : memref<128x128xf32, #tpu.memory_space<vmem>>) offsets(%arg8 : memref<128xi32, #tpu.memory_space<vmem>>) semaphore(%arg11 : memref<!tpu.dma_semaphore, #tpu.memory_space<semaphore_mem>>)
      %dma_wait3A = arith.constant 0 : i32
      %dma_wait3A_18 = arith.constant 0 : i32
      %dma_wait3A_19 = tpu.memref_slice %arg2[%dma_wait3A, %dma_wait3A_18] : memref<10000x128xf32, #tpu.memory_space<hbm>> -> memref<10000x128xf32, #tpu.memory_space<hbm>>
      tpu.wait_indirect_dma semaphore(%arg11 : memref<!tpu.dma_semaphore, #tpu.memory_space<semaphore_mem>>) src(%dma_wait3A_19 : memref<10000x128xf32, #tpu.memory_space<hbm>>) dst(%arg10 : memref<128x128xf32, #tpu.memory_space<vmem>>)
      "tpu.region"() ({
        %run_scoped3A = tpu.sem_alloc : memref<!tpu.dma_semaphore, #tpu.memory_space<semaphore_mem>>
        %dma_start3A_20 = arith.constant 0 : i32
        %dma_start3A_21 = arith.constant 0 : i32
        %dma_start3A_22 = tpu.memref_slice %arg7[%dma_start3A_20, %dma_start3A_21] : memref<10240x128xf32, #tpu.memory_space<vmem_shared>> -> memref<10240x128xf32, #tpu.memory_space<vmem_shared>>
        tpu.enqueue_indirect_dma source(%arg10 : memref<128x128xf32, #tpu.memory_space<vmem>>) target(%dma_start3A_22 : memref<10240x128xf32, #tpu.memory_space<vmem_shared>>) offsets(%arg9 : memref<128xi32, #tpu.memory_space<vmem>>) semaphore(%run_scoped3A : memref<!tpu.dma_semaphore, #tpu.memory_space<semaphore_mem>>) {add = true}
        %dma_wait3A_23 = arith.constant 0 : i32
        %dma_wait3A_24 = arith.constant 0 : i32
        %dma_wait3A_25 = tpu.memref_slice %arg7[%dma_wait3A_23, %dma_wait3A_24] : memref<10240x128xf32, #tpu.memory_space<vmem_shared>> -> memref<10240x128xf32, #tpu.memory_space<vmem_shared>>
        tpu.wait_indirect_dma semaphore(%run_scoped3A : memref<!tpu.dma_semaphore, #tpu.memory_space<semaphore_mem>>) src(%arg10 : memref<128x128xf32, #tpu.memory_space<vmem>>) dst(%dma_wait3A_25 : memref<10240x128xf32, #tpu.memory_space<vmem_shared>>)
        tpu.yield
      }) : () -> ()
    }
    %scan3A_9 = arith.constant 80 : i32
    %barrier3A_10 = arith.constant 0 : index
    tpu.barrier barrier_id(%barrier3A_10)
    "tpu.region"() ({
      %run_scoped3A = tpu.sem_alloc : memref<!tpu.dma_semaphore, #tpu.memory_space<semaphore_mem>>
      %dma_start3A = arith.constant 0 : i32
      %dma_start3A_11 = tpu.memref_slice %arg6[%arg0, %multiple_of3A, %dma_start3A] : memref<2x10240x128xf32, #tpu.memory_space<hbm>> -> memref<1x640x128xf32, #tpu.memory_space<hbm>>
      %dma_start3A_12 = tpu.memref_squeeze %dma_start3A_11 : memref<1x640x128xf32, #tpu.memory_space<hbm>> -> memref<640x128xf32, #tpu.memory_space<hbm>>
      %dma_start3A_13 = arith.constant 0 : i32
      %dma_start3A_14 = tpu.memref_slice %arg7[%multiple_of3A, %dma_start3A_13] : memref<10240x128xf32, #tpu.memory_space<vmem_shared>> -> memref<640x128xf32, #tpu.memory_space<vmem_shared>>
      tpu.enqueue_dma source(%dma_start3A_14 : memref<640x128xf32, #tpu.memory_space<vmem_shared>>) target(%dma_start3A_12 : memref<640x128xf32, #tpu.memory_space<hbm>>) target_semaphore(%run_scoped3A : memref<!tpu.dma_semaphore, #tpu.memory_space<semaphore_mem>>)
      %dma_wait3A = arith.constant 0 : i32
      %dma_wait3A_15 = tpu.memref_slice %arg6[%arg0, %multiple_of3A, %dma_wait3A] : memref<2x10240x128xf32, #tpu.memory_space<hbm>> -> memref<1x640x128xf32, #tpu.memory_space<hbm>>
      %dma_wait3A_16 = tpu.memref_squeeze %dma_wait3A_15 : memref<1x640x128xf32, #tpu.memory_space<hbm>> -> memref<640x128xf32, #tpu.memory_space<hbm>>
      %dma_wait3A_17 = arith.constant 0 : i32
      %dma_wait3A_18 = tpu.memref_slice %arg7[%multiple_of3A, %dma_wait3A_17] : memref<10240x128xf32, #tpu.memory_space<vmem_shared>> -> memref<640x128xf32, #tpu.memory_space<vmem_shared>>
      tpu.wait_dma2 semaphore(%run_scoped3A : memref<!tpu.dma_semaphore, #tpu.memory_space<semaphore_mem>>) src(%dma_wait3A_18 : memref<640x128xf32, #tpu.memory_space<vmem_shared>>) dst(%dma_wait3A_16 : memref<640x128xf32, #tpu.memory_space<hbm>>)
      tpu.yield
    }) : () -> ()
    return
  }
}

#map = affine_map<(d0, d1) -> (0, 0)>
#map1 = affine_map<(d0, d1) -> (0)>
#map2 = affine_map<(d0, d1) -> (0, 0, 0)>
module attributes {stable_mosaic.version = 14 : i64} {
  func.func @_sc_aggregate(%arg0: i32, %arg1: i32, %arg2: memref<10000x128xf32, #tpu.memory_space<hbm>>, %arg3: memref<327680xi32, #tpu.memory_space<hbm>>, %arg4: memref<327680xi32, #tpu.memory_space<hbm>>, %arg5: memref<640x128xf32, #tpu.memory_space<hbm>>, %arg6: memref<2x10240x128xf32, #tpu.memory_space<hbm>>, %arg7: memref<10240x128xf32, #tpu.memory_space<vmem_shared>>, %arg8: memref<128xi32, #tpu.memory_space<vmem>>, %arg9: memref<128xi32, #tpu.memory_space<vmem>>, %arg10: memref<128x128xf32, #tpu.memory_space<vmem>>, %arg11: memref<!tpu.dma_semaphore, #tpu.memory_space<semaphore_mem>>) attributes {dimension_semantics = [#tpu.dimension_semantics<core_parallel>, #tpu.dimension_semantics<subcore_parallel>], iteration_bounds = array<i64: 2, 16>, scalar_prefetch = 0 : i64, scratch_operands = 5 : i64, tpu.core_type = #tpu.core_type<sc_vector_subcore>, window_params = [{transform_indices = #map}, {transform_indices = #map1}, {transform_indices = #map1}, {transform_indices = #map}, {transform_indices = #map2}]} {
    %mul3A = arith.constant 16 : i32
    %mul3A_0 = arith.muli %arg0, %mul3A : i32
    %add3A = arith.addi %mul3A_0, %arg1 : i32
    %mul3A_1 = arith.constant 640 : i32
    %mul3A_2 = arith.muli %arg1, %mul3A_1 : i32
    %multiple_of3A = tpu.assume_multiple %mul3A_2, 8 : i32
    "tpu.region"() ({
      %run_scoped3A = tpu.sem_alloc : memref<!tpu.dma_semaphore, #tpu.memory_space<semaphore_mem>>
      %dma_start3A = arith.constant 0 : i32
      %dma_start3A_11 = tpu.memref_slice %arg7[%multiple_of3A, %dma_start3A] : memref<10240x128xf32, #tpu.memory_space<vmem_shared>> -> memref<640x128xf32, #tpu.memory_space<vmem_shared>>
      tpu.enqueue_dma source(%arg5 : memref<640x128xf32, #tpu.memory_space<hbm>>) target(%dma_start3A_11 : memref<640x128xf32, #tpu.memory_space<vmem_shared>>) target_semaphore(%run_scoped3A : memref<!tpu.dma_semaphore, #tpu.memory_space<semaphore_mem>>)
      %dma_wait3A = arith.constant 0 : i32
      %dma_wait3A_12 = tpu.memref_slice %arg7[%multiple_of3A, %dma_wait3A] : memref<10240x128xf32, #tpu.memory_space<vmem_shared>> -> memref<640x128xf32, #tpu.memory_space<vmem_shared>>
      tpu.wait_dma2 semaphore(%run_scoped3A : memref<!tpu.dma_semaphore, #tpu.memory_space<semaphore_mem>>) src(%arg5 : memref<640x128xf32, #tpu.memory_space<hbm>>) dst(%dma_wait3A_12 : memref<640x128xf32, #tpu.memory_space<vmem_shared>>)
      tpu.yield
    }) : () -> ()
    %barrier3A = arith.constant 0 : index
    tpu.barrier barrier_id(%barrier3A)
    %mul3A_3 = arith.constant 10240 : i32
    %mul3A_4 = arith.muli %add3A, %mul3A_3 : i32
    %scan3A = arith.constant 0 : i32
    %scan3A_5 = arith.constant 0 : i32
    %scan3A_6 = arith.constant 80 : i32
    %scan3A_7 = arith.addi %scan3A_5, %scan3A_6 : i32
    %scan3A_8 = arith.constant 1 : i32
    scf.for %scan3A_11 = %scan3A_5 to %scan3A_7 step %scan3A_8  : i32 {
      %mul3A_12 = arith.constant 128 : i32
      %mul3A_13 = arith.muli %scan3A_11, %mul3A_12 : i32
      %add3A_14 = arith.addi %mul3A_4, %mul3A_13 : i32
      %multiple_of3A_15 = tpu.assume_multiple %add3A_14, 8 : i32
      "tpu.region"() ({
        %run_scoped3A = tpu.sem_alloc : memref<!tpu.dma_semaphore, #tpu.memory_space<semaphore_mem>>
        %dma_start3A_20 = tpu.memref_slice %arg3[%multiple_of3A_15] : memref<327680xi32, #tpu.memory_space<hbm>> -> memref<128xi32, #tpu.memory_space<hbm>>
        %dma_start3A_21 = tpu.memref_slice %arg3[%multiple_of3A_15] : memref<327680xi32, #tpu.memory_space<hbm>> -> memref<128xi32, #tpu.memory_space<hbm>>
        tpu.enqueue_dma source(%dma_start3A_21 : memref<128xi32, #tpu.memory_space<hbm>>) target(%arg8 : memref<128xi32, #tpu.memory_space<vmem>>) target_semaphore(%run_scoped3A : memref<!tpu.dma_semaphore, #tpu.memory_space<semaphore_mem>>)
        %dma_wait3A_22 = tpu.memref_slice %arg3[%multiple_of3A_15] : memref<327680xi32, #tpu.memory_space<hbm>> -> memref<128xi32, #tpu.memory_space<hbm>>
        %dma_wait3A_23 = tpu.memref_slice %arg3[%multiple_of3A_15] : memref<327680xi32, #tpu.memory_space<hbm>> -> memref<128xi32, #tpu.memory_space<hbm>>
        tpu.wait_dma2 semaphore(%run_scoped3A : memref<!tpu.dma_semaphore, #tpu.memory_space<semaphore_mem>>) src(%dma_wait3A_23 : memref<128xi32, #tpu.memory_space<hbm>>) dst(%arg8 : memref<128xi32, #tpu.memory_space<vmem>>)
        tpu.yield
      }) : () -> ()
      "tpu.region"() ({
        %run_scoped3A = tpu.sem_alloc : memref<!tpu.dma_semaphore, #tpu.memory_space<semaphore_mem>>
        %dma_start3A_20 = tpu.memref_slice %arg4[%multiple_of3A_15] : memref<327680xi32, #tpu.memory_space<hbm>> -> memref<128xi32, #tpu.memory_space<hbm>>
        %dma_start3A_21 = tpu.memref_slice %arg4[%multiple_of3A_15] : memref<327680xi32, #tpu.memory_space<hbm>> -> memref<128xi32, #tpu.memory_space<hbm>>
        tpu.enqueue_dma source(%dma_start3A_21 : memref<128xi32, #tpu.memory_space<hbm>>) target(%arg9 : memref<128xi32, #tpu.memory_space<vmem>>) target_semaphore(%run_scoped3A : memref<!tpu.dma_semaphore, #tpu.memory_space<semaphore_mem>>)
        %dma_wait3A_22 = tpu.memref_slice %arg4[%multiple_of3A_15] : memref<327680xi32, #tpu.memory_space<hbm>> -> memref<128xi32, #tpu.memory_space<hbm>>
        %dma_wait3A_23 = tpu.memref_slice %arg4[%multiple_of3A_15] : memref<327680xi32, #tpu.memory_space<hbm>> -> memref<128xi32, #tpu.memory_space<hbm>>
        tpu.wait_dma2 semaphore(%run_scoped3A : memref<!tpu.dma_semaphore, #tpu.memory_space<semaphore_mem>>) src(%dma_wait3A_23 : memref<128xi32, #tpu.memory_space<hbm>>) dst(%arg9 : memref<128xi32, #tpu.memory_space<vmem>>)
        tpu.yield
      }) : () -> ()
      %dma_start3A = arith.constant 0 : i32
      %dma_start3A_16 = arith.constant 0 : i32
      %dma_start3A_17 = tpu.memref_slice %arg2[%dma_start3A, %dma_start3A_16] : memref<10000x128xf32, #tpu.memory_space<hbm>> -> memref<10000x128xf32, #tpu.memory_space<hbm>>
      tpu.enqueue_indirect_dma source(%dma_start3A_17 : memref<10000x128xf32, #tpu.memory_space<hbm>>) target(%arg10 : memref<128x128xf32, #tpu.memory_space<vmem>>) offsets(%arg8 : memref<128xi32, #tpu.memory_space<vmem>>) semaphore(%arg11 : memref<!tpu.dma_semaphore, #tpu.memory_space<semaphore_mem>>)
      %dma_wait3A = arith.constant 0 : i32
      %dma_wait3A_18 = arith.constant 0 : i32
      %dma_wait3A_19 = tpu.memref_slice %arg2[%dma_wait3A, %dma_wait3A_18] : memref<10000x128xf32, #tpu.memory_space<hbm>> -> memref<10000x128xf32, #tpu.memory_space<hbm>>
      tpu.wait_indirect_dma semaphore(%arg11 : memref<!tpu.dma_semaphore, #tpu.memory_space<semaphore_mem>>) src(%dma_wait3A_19 : memref<10000x128xf32, #tpu.memory_space<hbm>>) dst(%arg10 : memref<128x128xf32, #tpu.memory_space<vmem>>)
      "tpu.region"() ({
        %run_scoped3A = tpu.sem_alloc : memref<!tpu.dma_semaphore, #tpu.memory_space<semaphore_mem>>
        %dma_start3A_20 = arith.constant 0 : i32
        %dma_start3A_21 = arith.constant 0 : i32
        %dma_start3A_22 = tpu.memref_slice %arg7[%dma_start3A_20, %dma_start3A_21] : memref<10240x128xf32, #tpu.memory_space<vmem_shared>> -> memref<10240x128xf32, #tpu.memory_space<vmem_shared>>
        tpu.enqueue_indirect_dma source(%arg10 : memref<128x128xf32, #tpu.memory_space<vmem>>) target(%dma_start3A_22 : memref<10240x128xf32, #tpu.memory_space<vmem_shared>>) offsets(%arg9 : memref<128xi32, #tpu.memory_space<vmem>>) semaphore(%run_scoped3A : memref<!tpu.dma_semaphore, #tpu.memory_space<semaphore_mem>>) {add = true}
        %dma_wait3A_23 = arith.constant 0 : i32
        %dma_wait3A_24 = arith.constant 0 : i32
        %dma_wait3A_25 = tpu.memref_slice %arg7[%dma_wait3A_23, %dma_wait3A_24] : memref<10240x128xf32, #tpu.memory_space<vmem_shared>> -> memref<10240x128xf32, #tpu.memory_space<vmem_shared>>
        tpu.wait_indirect_dma semaphore(%run_scoped3A : memref<!tpu.dma_semaphore, #tpu.memory_space<semaphore_mem>>) src(%arg10 : memref<128x128xf32, #tpu.memory_space<vmem>>) dst(%dma_wait3A_25 : memref<10240x128xf32, #tpu.memory_space<vmem_shared>>)
        tpu.yield
      }) : () -> ()
    }
    %scan3A_9 = arith.constant 80 : i32
    %barrier3A_10 = arith.constant 0 : index
    tpu.barrier barrier_id(%barrier3A_10)
    "tpu.region"() ({
      %run_scoped3A = tpu.sem_alloc : memref<!tpu.dma_semaphore, #tpu.memory_space<semaphore_mem>>
      %dma_start3A = arith.constant 0 : i32
      %dma_start3A_11 = tpu.memref_slice %arg6[%arg0, %multiple_of3A, %dma_start3A] : memref<2x10240x128xf32, #tpu.memory_space<hbm>> -> memref<1x640x128xf32, #tpu.memory_space<hbm>>
      %dma_start3A_12 = tpu.memref_squeeze %dma_start3A_11 : memref<1x640x128xf32, #tpu.memory_space<hbm>> -> memref<640x128xf32, #tpu.memory_space<hbm>>
      %dma_start3A_13 = arith.constant 0 : i32
      %dma_start3A_14 = tpu.memref_slice %arg7[%multiple_of3A, %dma_start3A_13] : memref<10240x128xf32, #tpu.memory_space<vmem_shared>> -> memref<640x128xf32, #tpu.memory_space<vmem_shared>>
      tpu.enqueue_dma source(%dma_start3A_14 : memref<640x128xf32, #tpu.memory_space<vmem_shared>>) target(%dma_start3A_12 : memref<640x128xf32, #tpu.memory_space<hbm>>) target_semaphore(%run_scoped3A : memref<!tpu.dma_semaphore, #tpu.memory_space<semaphore_mem>>)
      %dma_wait3A = arith.constant 0 : i32
      %dma_wait3A_15 = tpu.memref_slice %arg6[%arg0, %multiple_of3A, %dma_wait3A] : memref<2x10240x128xf32, #tpu.memory_space<hbm>> -> memref<1x640x128xf32, #tpu.memory_space<hbm>>
      %dma_wait3A_16 = tpu.memref_squeeze %dma_wait3A_15 : memref<1x640x128xf32, #tpu.memory_space<hbm>> -> memref<640x128xf32, #tpu.memory_space<hbm>>
      %dma_wait3A_17 = arith.constant 0 : i32
      %dma_wait3A_18 = tpu.memref_slice %arg7[%multiple_of3A, %dma_wait3A_17] : memref<10240x128xf32, #tpu.memory_space<vmem_shared>> -> memref<640x128xf32, #tpu.memory_space<vmem_shared>>
      tpu.wait_dma2 semaphore(%run_scoped3A : memref<!tpu.dma_semaphore, #tpu.memory_space<semaphore_mem>>) src(%dma_wait3A_18 : memref<640x128xf32, #tpu.memory_space<vmem_shared>>) dst(%dma_wait3A_16 : memref<640x128xf32, #tpu.memory_space<hbm>>)
      tpu.yield
    }) : () -> ()
    return
  }
}

module attributes {stable_mosaic.version = 14 : i64} {
  func.func @_tc1_body(%arg0: i32, %arg1: memref<2x1000x1xf32, #tpu.memory_space<vmem>>, %arg2: memref<1000x128xf32, #tpu.memory_space<vmem>>, %arg3: memref<128x128xf32, #tpu.memory_space<vmem>>, %arg4: memref<1000x128xf32, #tpu.memory_space<vmem>>) attributes {dimension_semantics = [#tpu.dimension_semantics<arbitrary>], iteration_bounds = array<i64: 10>, scalar_prefetch = 0 : i64, scratch_operands = 0 : i64, tpu.core_type = #tpu.core_type<tc>, window_params = [{transform_indices = @transform_0, window_bounds = array<i64: 2, 1000, 1>}, {transform_indices = @transform_1, window_bounds = array<i64: 1000, 128>}, {pipeline_mode = #tpu.pipeline_mode<synchronous>, transform_indices = @transform_2, window_bounds = array<i64: 128, 128>}, {transform_indices = @transform_3, window_bounds = array<i64: 1000, 128>}]} {
    %get3A = arith.constant 0 : index
    %get3A_0 = arith.constant 0 : index
    %get3A_1 = arith.constant 0 : index
    %get3A_2 = vector.load %arg1[%get3A, %get3A_0, %get3A_1] : memref<2x1000x1xf32, #tpu.memory_space<vmem>>, vector<1x1000x1xf32>
    %get3A_3 = vector.shape_cast %get3A_2 : vector<1x1000x1xf32> to vector<1000x1xf32>
    %get3A_4 = arith.constant 1 : index
    %get3A_5 = arith.constant 0 : index
    %get3A_6 = arith.constant 0 : index
    %get3A_7 = vector.load %arg1[%get3A_4, %get3A_5, %get3A_6] : memref<2x1000x1xf32, #tpu.memory_space<vmem>>, vector<1x1000x1xf32>
    %get3A_8 = vector.shape_cast %get3A_7 : vector<1x1000x1xf32> to vector<1000x1xf32>
    %add3A = arith.addf %get3A_3, %get3A_8 : vector<1000x1xf32>
    %add3A_9 = arith.constant 1.000000e+00 : f32
    %add3A_10 = vector.broadcast %add3A_9 : f32 to vector<1000x1xf32>
    %add3A_11 = arith.addf %add3A, %add3A_10 : vector<1000x1xf32>
    %rsqrt3A = math.rsqrt %add3A_11 : vector<1000x1xf32>
    %get3A_12 = arith.constant 0 : index
    %get3A_13 = arith.constant 0 : index
    %get3A_14 = vector.load %arg2[%get3A_12, %get3A_13] : memref<1000x128xf32, #tpu.memory_space<vmem>>, vector<1000x128xf32>
    %get3A_15 = arith.constant 0 : index
    %get3A_16 = arith.constant 0 : index
    %get3A_17 = vector.load %arg3[%get3A_15, %get3A_16] : memref<128x128xf32, #tpu.memory_space<vmem>>, vector<128x128xf32>
    %dot_general3A = arith.constant dense<0.000000e+00> : vector<1000x128xf32>
    %dot_general3A_18 = tpu.matmul %get3A_14, %get3A_17, %dot_general3A {dimension_numbers = #tpu.dot_dimension_numbers<[1], [0], [0], [1], [0, 0, 1, 1], [], []>, transpose_lhs_hint = false} : vector<1000x128xf32>, vector<128x128xf32>, vector<1000x128xf32> -> vector<1000x128xf32>
    %mul3A = vector.broadcast %rsqrt3A : vector<1000x1xf32> to vector<1000x128xf32>
    %mul3A_19 = arith.mulf %dot_general3A_18, %mul3A : vector<1000x128xf32>
    %swap3A = arith.constant 0 : index
    %swap3A_20 = arith.constant 0 : index
    %swap3A_21 = vector.load %arg4[%swap3A, %swap3A_20] : memref<1000x128xf32, #tpu.memory_space<vmem>>, vector<1000x128xf32>
    tpu.vector_store %arg4[%swap3A, %swap3A_20], %mul3A_19 {strides = array<i32>} : memref<1000x128xf32, #tpu.memory_space<vmem>>, vector<1000x128xf32>,
    return
  }
  func.func @transform_0(%arg0: i32) -> (i32, i32, i32) {
    %c0_i32 = arith.constant 0 : i32
    %c0_i32_0 = arith.constant 0 : i32
    %c0_i32_1 = arith.constant 0 : i32
    return %c0_i32, %arg0, %c0_i32_0 : i32, i32, i32
  }
  func.func @transform_1(%arg0: i32) -> (i32, i32) {
    %c0_i32 = arith.constant 0 : i32
    %c0_i32_0 = arith.constant 0 : i32
    return %arg0, %c0_i32 : i32, i32
  }
  func.func @transform_2(%arg0: i32) -> (i32, i32) {
    %c0_i32 = arith.constant 0 : i32
    %c0_i32_0 = arith.constant 0 : i32
    %c0_i32_1 = arith.constant 0 : i32
    return %c0_i32, %c0_i32_0 : i32, i32
  }
  func.func @transform_3(%arg0: i32) -> (i32, i32) {
    %c0_i32 = arith.constant 0 : i32
    %c0_i32_0 = arith.constant 0 : i32
    return %arg0, %c0_i32 : i32, i32
  }
}

module attributes {stable_mosaic.version = 14 : i64} {
  func.func @_tc2_body(%arg0: i32, %arg1: memref<2x1000x1xf32, #tpu.memory_space<vmem>>, %arg2: memref<2x1000x128xf32, #tpu.memory_space<vmem>>, %arg3: memref<1000x128xf32, #tpu.memory_space<vmem>>, %arg4: memref<1x128xf32, #tpu.memory_space<vmem>>, %arg5: memref<128x128xf32, #tpu.memory_space<vmem>>, %arg6: memref<1000x128xf32, #tpu.memory_space<vmem>>) attributes {dimension_semantics = [#tpu.dimension_semantics<arbitrary>], iteration_bounds = array<i64: 10>, scalar_prefetch = 0 : i64, scratch_operands = 0 : i64, tpu.core_type = #tpu.core_type<tc>, window_params = [{transform_indices = @transform_0, window_bounds = array<i64: 2, 1000, 1>}, {transform_indices = @transform_1, window_bounds = array<i64: 2, 1000, 128>}, {transform_indices = @transform_2, window_bounds = array<i64: 1000, 128>}, {pipeline_mode = #tpu.pipeline_mode<synchronous>, transform_indices = @transform_3, window_bounds = array<i64: 1, 128>}, {pipeline_mode = #tpu.pipeline_mode<synchronous>, transform_indices = @transform_4, window_bounds = array<i64: 128, 128>}, {transform_indices = @transform_5, window_bounds = array<i64: 1000, 128>}]} {
    %get3A = arith.constant 0 : index
    %get3A_0 = arith.constant 0 : index
    %get3A_1 = arith.constant 0 : index
    %get3A_2 = vector.load %arg1[%get3A, %get3A_0, %get3A_1] : memref<2x1000x1xf32, #tpu.memory_space<vmem>>, vector<1x1000x1xf32>
    %get3A_3 = vector.shape_cast %get3A_2 : vector<1x1000x1xf32> to vector<1000x1xf32>
    %get3A_4 = arith.constant 1 : index
    %get3A_5 = arith.constant 0 : index
    %get3A_6 = arith.constant 0 : index
    %get3A_7 = vector.load %arg1[%get3A_4, %get3A_5, %get3A_6] : memref<2x1000x1xf32, #tpu.memory_space<vmem>>, vector<1x1000x1xf32>
    %get3A_8 = vector.shape_cast %get3A_7 : vector<1x1000x1xf32> to vector<1000x1xf32>
    %add3A = arith.addf %get3A_3, %get3A_8 : vector<1000x1xf32>
    %add3A_9 = arith.constant 1.000000e+00 : f32
    %add3A_10 = vector.broadcast %add3A_9 : f32 to vector<1000x1xf32>
    %add3A_11 = arith.addf %add3A, %add3A_10 : vector<1000x1xf32>
    %rsqrt3A = math.rsqrt %add3A_11 : vector<1000x1xf32>
    %get3A_12 = arith.constant 0 : index
    %get3A_13 = arith.constant 0 : index
    %get3A_14 = arith.constant 0 : index
    %get3A_15 = vector.load %arg2[%get3A_12, %get3A_13, %get3A_14] : memref<2x1000x128xf32, #tpu.memory_space<vmem>>, vector<1x1000x128xf32>
    %get3A_16 = vector.shape_cast %get3A_15 : vector<1x1000x128xf32> to vector<1000x128xf32>
    %get3A_17 = arith.constant 1 : index
    %get3A_18 = arith.constant 0 : index
    %get3A_19 = arith.constant 0 : index
    %get3A_20 = vector.load %arg2[%get3A_17, %get3A_18, %get3A_19] : memref<2x1000x128xf32, #tpu.memory_space<vmem>>, vector<1x1000x128xf32>
    %get3A_21 = vector.shape_cast %get3A_20 : vector<1x1000x128xf32> to vector<1000x128xf32>
    %add3A_22 = arith.addf %get3A_16, %get3A_21 : vector<1000x128xf32>
    %get3A_23 = arith.constant 0 : index
    %get3A_24 = arith.constant 0 : index
    %get3A_25 = vector.load %arg3[%get3A_23, %get3A_24] : memref<1000x128xf32, #tpu.memory_space<vmem>>, vector<1000x128xf32>
    %add3A_26 = arith.addf %add3A_22, %get3A_25 : vector<1000x128xf32>
    %mul3A = vector.broadcast %rsqrt3A : vector<1000x1xf32> to vector<1000x128xf32>
    %mul3A_27 = arith.mulf %add3A_26, %mul3A : vector<1000x128xf32>
    %get3A_28 = arith.constant 0 : index
    %get3A_29 = arith.constant 0 : index
    %get3A_30 = vector.load %arg4[%get3A_28, %get3A_29] : memref<1x128xf32, #tpu.memory_space<vmem>>, vector<1x128xf32>
    %add3A_31 = vector.broadcast %get3A_30 : vector<1x128xf32> to vector<1000x128xf32>
    %add3A_32 = arith.addf %mul3A_27, %add3A_31 : vector<1000x128xf32>
    %max3A = arith.constant 0.000000e+00 : f32
    %max3A_33 = vector.broadcast %max3A : f32 to vector<1000x128xf32>
    %max3A_34 = arith.maximumf %add3A_32, %max3A_33 : vector<1000x128xf32>
    %get3A_35 = arith.constant 0 : index
    %get3A_36 = arith.constant 0 : index
    %get3A_37 = vector.load %arg5[%get3A_35, %get3A_36] : memref<128x128xf32, #tpu.memory_space<vmem>>, vector<128x128xf32>
    %dot_general3A = arith.constant dense<0.000000e+00> : vector<1000x128xf32>
    %dot_general3A_38 = tpu.matmul %max3A_34, %get3A_37, %dot_general3A {dimension_numbers = #tpu.dot_dimension_numbers<[1], [0], [0], [1], [0, 0, 1, 1], [], []>, transpose_lhs_hint = false} : vector<1000x128xf32>, vector<128x128xf32>, vector<1000x128xf32> -> vector<1000x128xf32>
    %mul3A_39 = vector.broadcast %rsqrt3A : vector<1000x1xf32> to vector<1000x128xf32>
    %mul3A_40 = arith.mulf %dot_general3A_38, %mul3A_39 : vector<1000x128xf32>
    %swap3A = arith.constant 0 : index
    %swap3A_41 = arith.constant 0 : index
    %swap3A_42 = vector.load %arg6[%swap3A, %swap3A_41] : memref<1000x128xf32, #tpu.memory_space<vmem>>, vector<1000x128xf32>
    tpu.vector_store %arg6[%swap3A, %swap3A_41], %mul3A_40 {strides = array<i32>} : memref<1000x128xf32, #tpu.memory_space<vmem>>, vector<1000x128xf32>,
    return
  }
  func.func @transform_0(%arg0: i32) -> (i32, i32, i32) {
    %c0_i32 = arith.constant 0 : i32
    %c0_i32_0 = arith.constant 0 : i32
    %c0_i32_1 = arith.constant 0 : i32
    return %c0_i32, %arg0, %c0_i32_0 : i32, i32, i32
  }
  func.func @transform_1(%arg0: i32) -> (i32, i32, i32) {
    %c0_i32 = arith.constant 0 : i32
    %c0_i32_0 = arith.constant 0 : i32
    %c0_i32_1 = arith.constant 0 : i32
    return %c0_i32, %arg0, %c0_i32_0 : i32, i32, i32
  }
  func.func @transform_2(%arg0: i32) -> (i32, i32) {
    %c0_i32 = arith.constant 0 : i32
    %c0_i32_0 = arith.constant 0 : i32
    return %arg0, %c0_i32 : i32, i32
  }
  func.func @transform_3(%arg0: i32) -> (i32, i32) {
    %c0_i32 = arith.constant 0 : i32
    %c0_i32_0 = arith.constant 0 : i32
    %c0_i32_1 = arith.constant 0 : i32
    return %c0_i32, %c0_i32_0 : i32, i32
  }
  func.func @transform_4(%arg0: i32) -> (i32, i32) {
    %c0_i32 = arith.constant 0 : i32
    %c0_i32_0 = arith.constant 0 : i32
    %c0_i32_1 = arith.constant 0 : i32
    return %c0_i32, %c0_i32_0 : i32, i32
  }
  func.func @transform_5(%arg0: i32) -> (i32, i32) {
    %c0_i32 = arith.constant 0 : i32
    %c0_i32_0 = arith.constant 0 : i32
    return %arg0, %c0_i32 : i32, i32
  }
}

module attributes {stable_mosaic.version = 14 : i64} {
  func.func @_tc3_body(%arg0: i32, %arg1: memref<2x1000x1xf32, #tpu.memory_space<vmem>>, %arg2: memref<2x1000x128xf32, #tpu.memory_space<vmem>>, %arg3: memref<1000x128xf32, #tpu.memory_space<vmem>>, %arg4: memref<1x128xf32, #tpu.memory_space<vmem>>, %arg5: memref<128x128xf32, #tpu.memory_space<vmem>>, %arg6: memref<1x128xf32, #tpu.memory_space<vmem>>, %arg7: memref<1000x128xf32, #tpu.memory_space<vmem>>) attributes {dimension_semantics = [#tpu.dimension_semantics<arbitrary>], iteration_bounds = array<i64: 10>, scalar_prefetch = 0 : i64, scratch_operands = 0 : i64, tpu.core_type = #tpu.core_type<tc>, window_params = [{transform_indices = @transform_0, window_bounds = array<i64: 2, 1000, 1>}, {transform_indices = @transform_1, window_bounds = array<i64: 2, 1000, 128>}, {transform_indices = @transform_2, window_bounds = array<i64: 1000, 128>}, {pipeline_mode = #tpu.pipeline_mode<synchronous>, transform_indices = @transform_3, window_bounds = array<i64: 1, 128>}, {pipeline_mode = #tpu.pipeline_mode<synchronous>, transform_indices = @transform_4, window_bounds = array<i64: 128, 128>}, {pipeline_mode = #tpu.pipeline_mode<synchronous>, transform_indices = @transform_5, window_bounds = array<i64: 1, 128>}, {transform_indices = @transform_6, window_bounds = array<i64: 1000, 128>}]} {
    %get3A = arith.constant 0 : index
    %get3A_0 = arith.constant 0 : index
    %get3A_1 = arith.constant 0 : index
    %get3A_2 = vector.load %arg1[%get3A, %get3A_0, %get3A_1] : memref<2x1000x1xf32, #tpu.memory_space<vmem>>, vector<1x1000x1xf32>
    %get3A_3 = vector.shape_cast %get3A_2 : vector<1x1000x1xf32> to vector<1000x1xf32>
    %get3A_4 = arith.constant 1 : index
    %get3A_5 = arith.constant 0 : index
    %get3A_6 = arith.constant 0 : index
    %get3A_7 = vector.load %arg1[%get3A_4, %get3A_5, %get3A_6] : memref<2x1000x1xf32, #tpu.memory_space<vmem>>, vector<1x1000x1xf32>
    %get3A_8 = vector.shape_cast %get3A_7 : vector<1x1000x1xf32> to vector<1000x1xf32>
    %add3A = arith.addf %get3A_3, %get3A_8 : vector<1000x1xf32>
    %add3A_9 = arith.constant 1.000000e+00 : f32
    %add3A_10 = vector.broadcast %add3A_9 : f32 to vector<1000x1xf32>
    %add3A_11 = arith.addf %add3A, %add3A_10 : vector<1000x1xf32>
    %rsqrt3A = math.rsqrt %add3A_11 : vector<1000x1xf32>
    %get3A_12 = arith.constant 0 : index
    %get3A_13 = arith.constant 0 : index
    %get3A_14 = arith.constant 0 : index
    %get3A_15 = vector.load %arg2[%get3A_12, %get3A_13, %get3A_14] : memref<2x1000x128xf32, #tpu.memory_space<vmem>>, vector<1x1000x128xf32>
    %get3A_16 = vector.shape_cast %get3A_15 : vector<1x1000x128xf32> to vector<1000x128xf32>
    %get3A_17 = arith.constant 1 : index
    %get3A_18 = arith.constant 0 : index
    %get3A_19 = arith.constant 0 : index
    %get3A_20 = vector.load %arg2[%get3A_17, %get3A_18, %get3A_19] : memref<2x1000x128xf32, #tpu.memory_space<vmem>>, vector<1x1000x128xf32>
    %get3A_21 = vector.shape_cast %get3A_20 : vector<1x1000x128xf32> to vector<1000x128xf32>
    %add3A_22 = arith.addf %get3A_16, %get3A_21 : vector<1000x128xf32>
    %get3A_23 = arith.constant 0 : index
    %get3A_24 = arith.constant 0 : index
    %get3A_25 = vector.load %arg3[%get3A_23, %get3A_24] : memref<1000x128xf32, #tpu.memory_space<vmem>>, vector<1000x128xf32>
    %add3A_26 = arith.addf %add3A_22, %get3A_25 : vector<1000x128xf32>
    %mul3A = vector.broadcast %rsqrt3A : vector<1000x1xf32> to vector<1000x128xf32>
    %mul3A_27 = arith.mulf %add3A_26, %mul3A : vector<1000x128xf32>
    %get3A_28 = arith.constant 0 : index
    %get3A_29 = arith.constant 0 : index
    %get3A_30 = vector.load %arg4[%get3A_28, %get3A_29] : memref<1x128xf32, #tpu.memory_space<vmem>>, vector<1x128xf32>
    %add3A_31 = vector.broadcast %get3A_30 : vector<1x128xf32> to vector<1000x128xf32>
    %add3A_32 = arith.addf %mul3A_27, %add3A_31 : vector<1000x128xf32>
    %get3A_33 = arith.constant 0 : index
    %get3A_34 = arith.constant 0 : index
    %get3A_35 = vector.load %arg5[%get3A_33, %get3A_34] : memref<128x128xf32, #tpu.memory_space<vmem>>, vector<128x128xf32>
    %dot_general3A = arith.constant dense<0.000000e+00> : vector<1000x128xf32>
    %dot_general3A_36 = tpu.matmul %add3A_32, %get3A_35, %dot_general3A {dimension_numbers = #tpu.dot_dimension_numbers<[1], [0], [0], [1], [0, 0, 1, 1], [], []>, transpose_lhs_hint = false} : vector<1000x128xf32>, vector<128x128xf32>, vector<1000x128xf32> -> vector<1000x128xf32>
    %get3A_37 = arith.constant 0 : index
    %get3A_38 = arith.constant 0 : index
    %get3A_39 = vector.load %arg6[%get3A_37, %get3A_38] : memref<1x128xf32, #tpu.memory_space<vmem>>, vector<1x128xf32>
    %add3A_40 = vector.broadcast %get3A_39 : vector<1x128xf32> to vector<1000x128xf32>
    %add3A_41 = arith.addf %dot_general3A_36, %add3A_40 : vector<1000x128xf32>
    %reduce_max3A = arith.constant dense<0xFF800000> : vector<1000xf32>
    %reduce_max3A_42 = vector.multi_reduction <maximumf>, %add3A_41, %reduce_max3A [1] : vector<1000x128xf32> to vector<1000xf32>
    %broadcast_in_dim3A = vector.shape_cast %reduce_max3A_42 : vector<1000xf32> to vector<1000x1xf32>
    %sub3A = vector.broadcast %broadcast_in_dim3A : vector<1000x1xf32> to vector<1000x128xf32>
    %sub3A_43 = arith.subf %add3A_41, %sub3A : vector<1000x128xf32>
    %exp3A = math.exp %sub3A_43 : vector<1000x128xf32>
    %reduce_sum3A = arith.constant dense<0.000000e+00> : vector<1000xf32>
    %reduce_sum3A_44 = vector.multi_reduction <add>, %exp3A, %reduce_sum3A [1] : vector<1000x128xf32> to vector<1000xf32>
    %broadcast_in_dim3A_45 = vector.shape_cast %reduce_sum3A_44 : vector<1000xf32> to vector<1000x1xf32>
    %log3A = math.log %broadcast_in_dim3A_45 : vector<1000x1xf32>
    %sub3A_46 = vector.broadcast %log3A : vector<1000x1xf32> to vector<1000x128xf32>
    %sub3A_47 = arith.subf %sub3A_43, %sub3A_46 : vector<1000x128xf32>
    %swap3A = arith.constant 0 : index
    %swap3A_48 = arith.constant 0 : index
    %swap3A_49 = vector.load %arg7[%swap3A, %swap3A_48] : memref<1000x128xf32, #tpu.memory_space<vmem>>, vector<1000x128xf32>
    tpu.vector_store %arg7[%swap3A, %swap3A_48], %sub3A_47 {strides = array<i32>} : memref<1000x128xf32, #tpu.memory_space<vmem>>, vector<1000x128xf32>,
    return
  }
  func.func @transform_0(%arg0: i32) -> (i32, i32, i32) {
    %c0_i32 = arith.constant 0 : i32
    %c0_i32_0 = arith.constant 0 : i32
    %c0_i32_1 = arith.constant 0 : i32
    return %c0_i32, %arg0, %c0_i32_0 : i32, i32, i32
  }
  func.func @transform_1(%arg0: i32) -> (i32, i32, i32) {
    %c0_i32 = arith.constant 0 : i32
    %c0_i32_0 = arith.constant 0 : i32
    %c0_i32_1 = arith.constant 0 : i32
    return %c0_i32, %arg0, %c0_i32_0 : i32, i32, i32
  }
  func.func @transform_2(%arg0: i32) -> (i32, i32) {
    %c0_i32 = arith.constant 0 : i32
    %c0_i32_0 = arith.constant 0 : i32
    return %arg0, %c0_i32 : i32, i32
  }
  func.func @transform_3(%arg0: i32) -> (i32, i32) {
    %c0_i32 = arith.constant 0 : i32
    %c0_i32_0 = arith.constant 0 : i32
    %c0_i32_1 = arith.constant 0 : i32
    return %c0_i32, %c0_i32_0 : i32, i32
  }
  func.func @transform_4(%arg0: i32) -> (i32, i32) {
    %c0_i32 = arith.constant 0 : i32
    %c0_i32_0 = arith.constant 0 : i32
    %c0_i32_1 = arith.constant 0 : i32
    return %c0_i32, %c0_i32_0 : i32, i32
  }
  func.func @transform_5(%arg0: i32) -> (i32, i32) {
    %c0_i32 = arith.constant 0 : i32
    %c0_i32_0 = arith.constant 0 : i32
    %c0_i32_1 = arith.constant 0 : i32
    return %c0_i32, %c0_i32_0 : i32, i32
  }
  func.func @transform_6(%arg0: i32) -> (i32, i32) {
    %c0_i32 = arith.constant 0 : i32
    %c0_i32_0 = arith.constant 0 : i32
    return %arg0, %c0_i32 : i32, i32
  }
}

</mosaic_0001>

<sc_bundles>
// kernel: kernel.11.cloned.1.call-start
scs
__scs_entry_jumppad:
0x0: {  	(pc) =	sbr.rel $0x88, $3  }
0x1: {  	(tag) =	ssettag $0x0;
	lr =	simm.s32 $0x1  }
0x2: {  	[smem:$0x3F99] =	sst lr;
	_ =	strace $0xD0000000  }
0x3: {  	_ = 	snop  }
0x4: {  	_ = 	snop  }
0x5: {  	_ = 	snop  }
0x6: {  	_ = 	snop  }
0x7: {  	_ = 	snop  }
__scs_overlays_trampoline_lowered:
0x8: {  	[smem:$0x3FA8] =	sst s0  }
0x9: {  	[smem:$0x3FA9] =	sst s1  }
0xa: {  	[smem:$0x3FAA] =	sst s2  }
0xb: {  	[smem:$0x3FAB] =	sst s3  }
0xc: {  	[smem:$0x3FAC] =	sst s4  }
0xd: {  	[smem:$0x3FAD] =	sst s5  }
0xe: {  	[smem:$0x3FAE] =	sst s6  }
0xf: {  	[smem:$0x3FAF] =	sst s7  }
0x10: {  	[smem:$0x3FB0] =	sst s8  }
0x11: {  	[smem:$0x3FB1] =	sst s9;
	s0 =	simm.s32 @!p0 $0x0  }
0x12: {  	s1 =	sld [smem:$0x3F97];
	s0 =	simm.s32 @p0 $0x1  }
0x13: {  	[smem:$0x3FB2] =	sst s0;
	s0 =	simm.s32 @!p1 $0x0  }
0x14: {  	s2 =	sld [smem:$0x3F96];
	s0 =	simm.s32 @p1 $0x1  }
0x15: {  	[smem:$0x3FB3] =	sst s0;
	s0 =	simm.s32 @!p2 $0x0  }
0x16: {  	s3 =	sld [smem:$0x3FDB];
	s0 =	simm.s32 @p2 $0x1  }
0x17: {  	s4 =	simm.s32 $0x1BF5;
	[smem:$0x3FB5] =	sst s0  }
0x18: {  	s0 =	sld [smem:$0x3F98];
	_ =	swait.ge [sflag:s4], $0x0  }
0x19: {  	s7 =	sld [smem:$0x3F99]  }
0x1a: {  	s8 =	sadd.s32 $0xFFFFE003, lr  }
0x1b: {  	s9 =	sadd.s32 $0xFFFFFEF7, lr;
	s5 =	simm.s32 $0xFFFFFFFF;
	p2 =	slt.u32 s8, $0xFFFFF086  }
0x1c: {  	p1 =	slt.u32 s9, $0xF7A;
	s5 =	simm.s32 @!p2 $0x0  }
0x1d: {  	s5 =	simm.s32 @p1 $0x1;
	p0 =	seq.s32 s7, s2  }
0x1e: {  	s7 =	smul.u32 @!p0 $0xF7A, s2;
	p2 =	seq.s32 @!p0 s5, $0x0  }
0x1f: {  	s9 =	smul.u32 $0xF7A, s1;
	s8 =	simm.s32 @!p0 $0x1BF5;
	p2 =	por !p2, p0  }
0x20: {  	[sflag:s8] =	ssyncset.s32 @!p0 $0xFFFFF086;
	s6 =	sadd.s32 @!p0 s3, s7;
	s7 =	simm.s32 @!p0 $0x108  }
0x21: {  	s3 =	sadd.s32 s3, s9;
	s6 =	sadd.s32 @!p0 $0x88, s6;
	s7 =	simm.s32 @p2 $0x1082  }
0x22: {  	[simem:s7], [sflag:s8] =	dma.local @!p0 [hbm:s6], $0xF7A  }
0x23: {  	s9 =	sor.u32 $0xD0000000, s2;
	s6 =	simm.s32 $0x108;
	_ =	swait.ge @!p0 [sflag:s8], $0x0  }
0x24: {  	s3 =	sadd.s32 $0x88, s3;
	s6 =	simm.s32 @!p1 $0x1082;
	[sflag:s4] =	ssyncset.s32 $0xFFFFF086  }
0x25: {  	[simem:s6], [sflag:s4] =	dma.local [hbm:s3], $0xF7A  }
0x26: {  	[smem:$0x3F99] =	sst s1;
	(tag) =	ssettag s2;
	_ =	strace s9  }
0x27: {  	s1 =	sld [smem:$0x3FA9]  }
0x28: {  	s2 =	sld [smem:$0x3FAA]  }
0x29: {  	s4 =	sld [smem:$0x3FAC]  }
0x2a: {  	p0 =	seq.s32 s5, $0x0;
	s5 =	sld [smem:$0x3FAD]  }
0x2b: {  	s6 =	sld [smem:$0x3FAE]  }
0x2c: {  	s7 =	sld [smem:$0x3FAF]  }
0x2d: {  	s3 =	simm.s32 $0x108;
	s8 =	sld [smem:$0x3FB0]  }
0x2e: {  	s3 =	simm.s32 @!p0 $0x1082;
	s9 =	sld [smem:$0x3FB1]  }
0x2f: {  	lr =	sadd.s32 s0, s3;
	s0 =	sld [smem:$0x3FA8]  }
0x30: {  	s3 =	sld [smem:$0x3FAB]  }
0x31: {  	[smem:$0x3FB4] =	sst s10  }
0x32: {  	s10 =	sld [smem:$0x3FB2];
	_ =	sdelay $0x3  }
0x33: {  	p0 =	seq.s32 s10, $0x1;
	s10 =	sld [smem:$0x3FB4];
	_ =	sdelay $0x3  }
0x34: {  	[smem:$0x3FB4] =	sst s10  }
0x35: {  	s10 =	sld [smem:$0x3FB3];
	_ =	sdelay $0x3  }
0x36: {  	p1 =	seq.s32 s10, $0x1;
	s10 =	sld [smem:$0x3FB4];
	_ =	sdelay $0x3  }
0x37: {  	[smem:$0x3FB4] =	sst s10  }
0x38: {  	s10 =	sld [smem:$0x3FB5]  }
0x39: {  	_ = 	snop;
	(pc) =	sbr.ind lr, $3  }
0x3a: {  	_ = 	snop  }
0x3b: {  	_ = 	snop  }
0x3c: {  	p2 =	seq.s32 s10, $0x1;
	s10 =	sld [smem:$0x3FB4]  }
0x3d: {  	_ =	shalt  }
0x3e: {  	_ =	shalt  }
0x3f: {  	_ =	shalt  }
0x40: {  	_ =	shalt  }
0x41: {  	_ =	shalt  }
0x42: {  	_ =	shalt  }
0x43: {  	_ =	shalt  }
0x44: {  	_ =	shalt  }
0x45: {  	_ =	shalt  }
0x46: {  	_ =	shalt  }
0x47: {  	_ =	shalt  }
0x48: {  	_ =	shalt  }
0x49: {  	_ =	shalt  }
0x4a: {  	_ =	shalt  }
0x4b: {  	_ =	shalt  }
0x4c: {  	_ =	shalt  }
0x4d: {  	_ =	shalt  }
0x4e: {  	_ =	shalt  }
0x4f: {  	_ =	shalt  }
0x50: {  	_ =	shalt  }
0x51: {  	_ =	shalt  }
0x52: {  	_ =	shalt  }
0x53: {  	_ =	shalt  }
0x54: {  	_ =	shalt  }
0x55: {  	_ =	shalt  }
0x56: {  	_ =	shalt  }
0x57: {  	_ =	shalt  }
0x58: {  	_ =	shalt  }
0x59: {  	_ =	shalt  }
0x5a: {  	_ =	shalt  }
0x5b: {  	_ =	shalt  }
0x5c: {  	_ =	shalt  }
0x5d: {  	_ =	shalt  }
0x5e: {  	_ =	shalt  }
0x5f: {  	_ =	shalt  }
0x60: {  	_ =	shalt  }
0x61: {  	_ =	shalt  }
0x62: {  	_ =	shalt  }
0x63: {  	_ =	shalt  }
0x64: {  	_ =	shalt  }
0x65: {  	_ =	shalt  }
0x66: {  	_ =	shalt  }
0x67: {  	_ =	shalt  }
0x68: {  	_ =	shalt  }
0x69: {  	_ =	shalt  }
0x6a: {  	_ =	shalt  }
0x6b: {  	_ =	shalt  }
0x6c: {  	_ =	shalt  }
0x6d: {  	_ =	shalt  }
0x6e: {  	_ =	shalt  }
0x6f: {  	_ =	shalt  }
0x70: {  	_ =	shalt  }
0x71: {  	_ =	shalt  }
0x72: {  	_ =	shalt  }
0x73: {  	_ =	shalt  }
0x74: {  	_ =	shalt  }
0x75: {  	_ =	shalt  }
0x76: {  	_ =	shalt  }
0x77: {  	_ =	shalt  }
0x78: {  	_ =	shalt  }
0x79: {  	_ =	shalt  }
0x7a: {  	_ =	shalt  }
0x7b: {  	_ =	shalt  }
0x7c: {  	_ =	shalt  }
0x7d: {  	_ =	shalt  }
0x7e: {  	_ =	shalt  }
0x7f: {  	_ =	shalt  }
0x80: {  	_ =	shalt  }
0x81: {  	_ =	shalt  }
0x82: {  	_ =	shalt  }
0x83: {  	_ =	shalt  }
0x84: {  	_ =	shalt  }
0x85: {  	_ =	shalt  }
0x86: {  	_ =	shalt  }
0x87: {  	_ =	shalt  }
.Lfunc_end0:
.L_simem_size_0:
called_computation.1_lowered:
.L_overlay_start_0:
0x88: {  	s2 =	sld [smem:$0x3FD9]  }
0x89: {  	s3 =	sld [smem:$0x3FFE];
	_ =	sdelay $0x1  }
0x8a: {  	s1 =	srdreg.scid  }
0x8b: {  	s0 =	sand.u32 $0x1, s1  }
0x8c: {  	s17 =	sshll.u32 s0, $0xA;
	s2 =	sadd.s32 s3, s2  }
0x8d: {  	s2 =	sadd.s32 s2, s17  }
0x8e: {  	[smem:$0x3FC0] =	sst s2  }
0x8f: {  	_ = 	snop  }
0x90: {  	s2 =	sld [smem:$0x3FD0];
	(tm) =	ssettm $0x1  }
0x91: {  	s18 =	sld [smem:$0x3FFB];
	_ =	sdelay $0x3  }
0x92: {  	_ =	strace s18  }
0x93: {  	s3 =	sld [smem:$0x3FFC];
	_ =	sdelay $0x3  }
0x94: {  	_ =	strace s3  }
0x95: {  	s3 =	sld [smem:$0x3FFD];
	_ =	sdelay $0x3  }
0x96: {  	_ =	strace s3  }
0x97: {  	_ =	strace $0x8FFFFFFF  }
0x98: {  	s19 =	sld [smem:$0x3FDB];
	_ =	sdelay $0x1  }
0x99: {  	s4 =	simm.s32 $_scs_section_size  }
0x9a: {  	s5 =	simm.s32 $_size__tile_overlayer_lowered;
	s6 =	simm.s32 $_tile_overlayer_lowered  }
0x9b: {  	s22 =	simm.s32 $0x1BFF;
	s21 =	sshll.u32 s6, $0x1;
	s3 =	sadd.s32 s4, s19  }
0x9c: {  	s7 =	simm.s32 $0x0;
	s20 =	sshll.u32 s5, $0x1;
	s5 =	sadd.s32 s21, s3  }
0x9d: {  	[timem:s7], [sflag:s22] =	dma.local [hbm:s5], s20  }
0x9e: {  	_ =	swait.ge [sflag:s22], s20  }
0x9f: {  	s4 =	ssub.s32 $0x0, s20;
	[sflag:s22] =	ssyncset.done $0x0  }
0xa0: {  	[sflag:s22] =	ssyncadd.s32 s4;
	_ =	sdelay $0x1  }
0xa1: {  	s23 =	simm.s32 $0x1B8B  }
0xa2: {  	_ =	swait.ge [sflag:s23], $0x1  }
0xa3: {  	[sflag:s23] =	ssyncset.done $0x0  }
0xa4: {  	s25 =	simm.s32 $0x1B8E;
	s24 =	sld [smem:$0x3FFE];
	[sflag:s23] =	ssyncadd.s32 $0xFFFFFFFF  }
0xa5: {  	s26 =	simm.s32 $execute0_lowered;
	[smem:$0x3FD2] =	sst s25  }
0xa6: {  	s5 =	sshll.u32 s26, $0x1;
	_ =	strace $0x80000049;
	[dreg:$0x1] =	wrdreg $0xFFFFFFFF  }
0xa7: {  	s28 =	simm.s32 $_size_execute0_lowered;
	s3 =	sadd.s32 s3, s5;
	[dreg:$0x0] =	wrdreg $0x0  }
0xa8: {  	s5 =	sshll.u32 s28, $0x1;
	[dreg:$0x2] =	wrdreg s3  }
0xa9: {  	[dreg:$0x3] =	wrdreg s5  }
0xaa: {  	[dreg:$0x4] =	wrdreg $0xC0  }
0xab: {  	_ =	task [dreg:s7], $0x5FFFF  }
0xac: {  	[dreg:$0x1] =	wrdreg $0xFFFFFFFF  }
0xad: {  	[dreg:$0x0] =	wrdreg $0x60  }
0xae: {  	[dreg:$0x2] =	wrdreg s24  }
0xaf: {  	[dreg:$0x3] =	wrdreg s2  }
0xb0: {  	[dreg:$0x4] =	wrdreg $0x0  }
0xb1: {  	[dreg:$0x5] =	wrdreg $0x9  }
0xb2: {  	_ =	task.clear_ibuf [dreg:s7], $0x6FFFF;
	_ =	strace $0x90000049  }
0xb3: {  	s29 =	simm.s32 $0x9;
	_ =	strace $0x8000004B  }
0xb4: {  	_ =	swait.ge [sflag:s29], $0x1  }
0xb5: {  	[sflag:s29] =	ssyncadd.s32 $0xFFFFFFFF  }
0xb6: {  	_ =	strace $0x9000004B  }
0xb7: {  	_ =	sfence  }
0xb8: {  	s30 =	sld [smem:$0x0];
	_ =	sdelay $0x2  }
0xb9: {  	s31 =	sshll.u32 s1, $0xD;
	s1 =	sshrl.u32 s1, $0x2  }
0xba: {  	s3 =	sand.u32 $0x4000, s31;
	s1 =	sadd.s32 s1, s30  }
0xbb: {  	s0 =	sor.u32 s3, s0;
	s1 =	sshll.u32 s1, $0x11  }
0xbc: {  	s0 =	sor.u32 s1, s0  }
0xbd: {  	s0 =	sadd.s32 $0x8F2B, s0  }
0xbe: {  	[sflag:s0] =	ssyncadd.remote.s32 $0x1  }
0xbf: {  	_ =	sfence.sel $0xFFFF  }
0xc0: {  	[dreg:$0x0] =	wrdreg $0xFFFFFFFF;
	(pc) =	sbr.abs _section_cstart, $3  }
0xc1: {  	[dreg:$0x1] =	wrdreg $0xFFFFFFFF  }
0xc2: {  	_ =	task.clear_ibuf [dreg:s7], $0x2FFFF;
	_ =	strace $0x9FFFFFFF  }
0xc3: {  	(tm) =	ssettm $0x7FFFFFFF  }
tec
execute0_lowered:
.L_overlay_start_1:
0x0: {  	(tag) =	ssettag $0x1  }
0x1: {  	s6 =	rddreg [dreg:$0x0]  }
0x2: {  	s8 =	rddreg [dreg:$0x1];
	s0 =	srdreg.scid  }
0x3: {  	s1 =	rddreg [dreg:$0x2];
	s3 =	simm.s32 $0x0;
	s2 =	stileid.u32  }
0x4: {  	s14 =	simm.s32 $0x14080;
	s15 =	simm.s32 $0x80;
	s10 =	smul.u32 $0x14000, s2  }
0x5: {  	s16 =	simm.s32 $0x14100;
	s17 =	simm.s32 $0x1;
	s12 =	smul.u32 $0x50000, s2  }
0x6: {  	s5 =	sand.u32 $0x1, s0;
	s0 =	rddreg [dreg:$0x3];
	s30 =	smul.u32 $0x500, s2  }
0x7: {  	s18 =	simm.s32 $0x0;
	[smem:$0x7FF] =	sst s3;
	s9 =	smul.u32 $0x5000, s5  }
0x8: {  	s4 =	sadd.s32 $0xD400, s6;
	s29 =	sshll.u32 s2, $0x6;
	s7 =	smul.u32 $0x140000, s5  }
0x9: {  	_ =	strace $0x8000004A;
	s26 =	ssub.s32 $0x2, s5;
	s5 =	sadd.s32 $0x34600, s6  }
0xa: {  	s13 =	sshrl.u32 s26, $0x1;
	s28 =	sshrl.u32 s12, $0x2;
	s11 =	sadd.s32 s9, s6  }
0xb: {  	s7 =	sadd.s32 s10, s7;
	s10 =	ssub.s32 s26, s13;
	s12 =	sadd.s32 s28, s1  }
0xc: {  	s9 =	sadd.s32 s9, s8;
	s13 =	simm.s32 $0x14000;
	s7 =	sshrl.u32 s7, $0x3  }
0xd: {  	s8 =	smax.u32 s10, $0x1;
	s9 =	sadd.s32 s30, s9;
	s31 =	sadd.s32 s30, s11  }
0xe: {  	s11 =	sshrl.u32 s12, $0x3;
	s12 =	simm.s32 $0x2;
	s7 =	sadd.s32 s7, s6  }
0xf: {  	s6 =	sor.u32 $0x1C02, s29;
	s10 =	sadd.s32 $0x3400, s31;
	s7 =	sadd.s32 $0x36E00, s7  }
.LBB2_1:
0x10: {  	[spmem:s11], [sflag:s6] =	dma.local [hbm:s5], $0x2800  }
0x11: {  	_ =	swait.ge [sflag:s12], $0x2800  }
0x12: {  	[sflag:s12] =	ssyncset.done $0x0  }
0x13: {  	[sflag:s12] =	ssyncadd.s32 $0xFFFFD800  }
0x14: {  	s19 =	sadd.s32 $0x0, s10;
	[bflag:$0x0] =	sbarrier.arrive $0xFFFF  }
0x15: {  	[tilespmem:s13], [sflag:$0x2] =	stream.linear.gather [hbm4b:s19+s3], $0x80, $0x38;
	[tilespmem:$0x18100] =	vst v63  }
0x16: {  	_ =	swait.ge [sflag:s12], $0x80  }
0x17: {  	[sflag:s12] =	ssyncset.done $0x0  }
0x18: {  	s31 =	sadd.s32 $0x0, s9;
	[sflag:s12] =	ssyncadd.s32 $0xFFFFFF80  }
0x19: {  	[tilespmem:s14], [sflag:$0x2] =	stream.linear.gather [hbm4b:s31+s3], $0x80, $0x38;
	[tilespmem:$0x18100] =	vst v63  }
0x1a: {  	_ =	swait.ge [sflag:s12], $0x80  }
0x1b: {  	[sflag:s12] =	ssyncset.done $0x0  }
0x1c: {  	[sflag:s12] =	ssyncadd.s32 $0xFFFFFF80  }
0x1d: {  	[tilespmem:s16], [sflag:$0x1] =	stream.indirect.gather [hbm4b:s4+s15], $0x80, s13, s15, $0xb8;
	[tilespmem:$0x18100] =	vst v63  }
0x1e: {  	_ =	swait.ge [sflag:s17], $0x4000  }
0x1f: {  	[sflag:s17] =	ssyncset.done $0x0  }
0x20: {  	[sflag:s17] =	ssyncadd.s32 $0xFFFFC000  }
0x21: {  	[spmem:s1] =	stream.indirect.scatter.add.f32 [tilespmem:s16], [sflag:$0x2], $0x80, s14, s15, $0xb8;
	[tilespmem:$0x18100] =	vst v63  }
0x22: {  	_ =	swait.ge [sflag:s12], $0x4000  }
0x23: {  	s20 =	simm.s32 $0x20;
	s19 =	simm.s32 $0x10;
	[sflag:s12] =	ssyncset.done $0x0  }
.LBB2_2:
0x24: {  	s21 =	sadd.s32 s19, s10  }
0x25: {  	[sflag:s12] =	ssyncadd.s32 $0xFFFFC000;
	s22 =	smov.u32 s20;
	s23 =	sadd.s32 $0x10, s20  }
0x26: {  	[tilespmem:s13], [sflag:$0x2] =	stream.linear.gather [hbm4b:s21+s3], $0x80, $0x38;
	[tilespmem:$0x18100] =	vst v63  }
0x27: {  	p0 =	sne.s32 s20, $0x4F0;
	_ =	swait.ge [sflag:s12], $0x80  }
0x28: {  	[sflag:s12] =	ssyncset.done $0x0  }
0x29: {  	s20 =	sadd.s32 s19, s9;
	s19 =	smov.u32 s22;
	[sflag:s12] =	ssyncadd.s32 $0xFFFFFF80  }
0x2a: {  	[tilespmem:s14], [sflag:$0x2] =	stream.linear.gather [hbm4b:s20+s3], $0x80, $0x38;
	[tilespmem:$0x18100] =	vst v63  }
0x2b: {  	_ =	swait.ge [sflag:s12], $0x80  }
0x2c: {  	[sflag:s12] =	ssyncset.done $0x0  }
0x2d: {  	[sflag:s12] =	ssyncadd.s32 $0xFFFFFF80  }
0x2e: {  	[tilespmem:s16], [sflag:$0x1] =	stream.indirect.gather [hbm4b:s4+s15], $0x80, s13, s15, $0xb8;
	[tilespmem:$0x18100] =	vst v63  }
0x2f: {  	_ =	swait.ge [sflag:s17], $0x4000  }
.Ltmp0:
0x30: {  	[sflag:s17] =	ssyncset.done $0x0;
	(pc) =	sbr.rel @p0 .LBB2_2-.Ltmp0, $4  }
0x31: {  	[sflag:s17] =	ssyncadd.s32 $0xFFFFC000  }
0x32: {  	[spmem:s1] =	stream.indirect.scatter.add.f32 [tilespmem:s16], [sflag:$0x2], $0x80, s14, s15, $0xb8;
	[tilespmem:$0x18100] =	vst v63  }
0x33: {  	_ =	swait.ge [sflag:s12], $0x4000  }
0x34: {  	s20 =	smov.u32 s23;
	[sflag:s12] =	ssyncset.done $0x0  }
0x35: {  	s20 =	sadd.s32 s19, s10;
	[sflag:s12] =	ssyncadd.s32 $0xFFFFC000  }
0x36: {  	[tilespmem:s13], [sflag:$0x2] =	stream.linear.gather [hbm4b:s20+s3], $0x80, $0x38;
	[tilespmem:$0x18100] =	vst v63  }
0x37: {  	_ =	swait.ge [sflag:s12], $0x80  }
0x38: {  	[sflag:s12] =	ssyncset.done $0x0  }
0x39: {  	s31 =	sadd.s32 s19, s9;
	[sflag:s12] =	ssyncadd.s32 $0xFFFFFF80  }
0x3a: {  	[tilespmem:s14], [sflag:$0x2] =	stream.linear.gather [hbm4b:s31+s3], $0x80, $0x38;
	[tilespmem:$0x18100] =	vst v63  }
0x3b: {  	_ =	swait.ge [sflag:s12], $0x80  }
0x3c: {  	[sflag:s12] =	ssyncset.done $0x0  }
0x3d: {  	[sflag:s12] =	ssyncadd.s32 $0xFFFFFF80  }
0x3e: {  	[tilespmem:s16], [sflag:$0x1] =	stream.indirect.gather [hbm4b:s4+s15], $0x80, s13, s15, $0xb8;
	[tilespmem:$0x18100] =	vst v63  }
0x3f: {  	_ =	swait.ge [sflag:s17], $0x4000  }
0x40: {  	[sflag:s17] =	ssyncset.done $0x0  }
0x41: {  	[sflag:s17] =	ssyncadd.s32 $0xFFFFC000  }
0x42: {  	[spmem:s1] =	stream.indirect.scatter.add.f32 [tilespmem:s16], [sflag:$0x2], $0x80, s14, s15, $0xb8;
	[tilespmem:$0x18100] =	vst v63  }
0x43: {  	_ =	swait.ge [sflag:s12], $0x4000  }
0x44: {  	s18 =	sadd.s32 $0x1, s18;
	[sflag:s12] =	ssyncset.done $0x0  }
0x45: {  	p0 =	sne.s32 s18, s8;
	[sflag:s12] =	ssyncadd.s32 $0xFFFFC000  }
.Ltmp1:
0x46: {  	[bflag:$0x0] =	sbarrier.arrive $0xFFFF;
	(pc) =	sbr.rel @p0 .LBB2_1-.Ltmp1, $4  }
0x47: {  	[hbm:s7], [sflag:s6] =	dma.local [spmem:s11], $0x2800  }
0x48: {  	_ =	swait.ge [sflag:s12], $0x2800  }
0x49: {  	[sflag:s12] =	ssyncset.done $0x0  }
0x4a: {  	[sflag:s12] =	ssyncadd.s32 $0xFFFFD800  }
0x4b: {  	_ =	sfence.sel $0x180000  }
0x4c: {  	[bflag:$0x0] =	sbarrier.arrive $0xFFFF  }
0x4d: {  	p0 =	sne.s32 s2, $0x0;
	_ =	strace $0x9000004A  }
0x4e: {  	s0 =	sadd.s32 @!p0 $0x100000, s0;
	[bflag:$0x2] =	sbarrier.arrive $0xFFFF  }
0x4f: {  	[sflag:s0] =	ssyncadd.tile.s32 @!p0 $0x1;
	_ =	shalt  }
.Lfunc_end2:
_tile_overlayer_lowered:
.L_overlay_start_2:
0x50: {  	(tag) =	ssettag $0x2  }
0x51: {  	s0 =	rddreg [dreg:$0x0];
	s2 =	stileid.u32  }
0x52: {  	s1 =	rddreg [dreg:$0x1];
	p0 =	sne.s32 s2, $0x0  }
0x53: {  	s3 =	rddreg [dreg:$0x2];
	[bflag:$0x3] =	sbarrier.arrive $0xFFFF;
	s2 =	simm.s32 @!p0 $0x1C02  }
0x54: {  	[timem:s3], [sflag:s2] =	dma.local @!p0 [hbm:s0], s1  }
0x55: {  	s0 =	simm.s32 @!p0 $0x2  }
0x56: {  	_ =	swait.ge @!p0 [sflag:s0], s1  }
0x57: {  	s1 =	ssub.s32 @!p0 $0x0, s1;
	[sflag:s0] =	ssyncset.done @!p0 $0x0  }
0x58: {  	[sflag:s0] =	ssyncadd.s32 @!p0 s1  }
0x59: {  	[bflag:$0x3] =	sbarrier.arrive $0xFFFF  }
0x5a: {  	_ =	shalt  }

// kernel: kernel.14.cloned.1.call-start
scs
__scs_entry_jumppad:
0x0: {  	(pc) =	sbr.rel $0x88, $3  }
0x1: {  	(tag) =	ssettag $0x0;
	lr =	simm.s32 $0x1  }
0x2: {  	[smem:$0x3F99] =	sst lr;
	_ =	strace $0xD0000000  }
0x3: {  	_ = 	snop  }
0x4: {  	_ = 	snop  }
0x5: {  	_ = 	snop  }
0x6: {  	_ = 	snop  }
0x7: {  	_ = 	snop  }
__scs_overlays_trampoline_lowered:
0x8: {  	[smem:$0x3FA8] =	sst s0  }
0x9: {  	[smem:$0x3FA9] =	sst s1  }
0xa: {  	[smem:$0x3FAA] =	sst s2  }
0xb: {  	[smem:$0x3FAB] =	sst s3  }
0xc: {  	[smem:$0x3FAC] =	sst s4  }
0xd: {  	[smem:$0x3FAD] =	sst s5  }
0xe: {  	[smem:$0x3FAE] =	sst s6  }
0xf: {  	[smem:$0x3FAF] =	sst s7  }
0x10: {  	[smem:$0x3FB0] =	sst s8  }
0x11: {  	[smem:$0x3FB1] =	sst s9;
	s0 =	simm.s32 @!p0 $0x0  }
0x12: {  	s1 =	sld [smem:$0x3F97];
	s0 =	simm.s32 @p0 $0x1  }
0x13: {  	[smem:$0x3FB2] =	sst s0;
	s0 =	simm.s32 @!p1 $0x0  }
0x14: {  	s2 =	sld [smem:$0x3F96];
	s0 =	simm.s32 @p1 $0x1  }
0x15: {  	[smem:$0x3FB3] =	sst s0;
	s0 =	simm.s32 @!p2 $0x0  }
0x16: {  	s3 =	sld [smem:$0x3FDB];
	s0 =	simm.s32 @p2 $0x1  }
0x17: {  	s4 =	simm.s32 $0x1BF5;
	[smem:$0x3FB5] =	sst s0  }
0x18: {  	s0 =	sld [smem:$0x3F98];
	_ =	swait.ge [sflag:s4], $0x0  }
0x19: {  	s7 =	sld [smem:$0x3F99]  }
0x1a: {  	s8 =	sadd.s32 $0xFFFFE003, lr  }
0x1b: {  	s9 =	sadd.s32 $0xFFFFFEF7, lr;
	s5 =	simm.s32 $0xFFFFFFFF;
	p2 =	slt.u32 s8, $0xFFFFF086  }
0x1c: {  	p1 =	slt.u32 s9, $0xF7A;
	s5 =	simm.s32 @!p2 $0x0  }
0x1d: {  	s5 =	simm.s32 @p1 $0x1;
	p0 =	seq.s32 s7, s2  }
0x1e: {  	s7 =	smul.u32 @!p0 $0xF7A, s2;
	p2 =	seq.s32 @!p0 s5, $0x0  }
0x1f: {  	s9 =	smul.u32 $0xF7A, s1;
	s8 =	simm.s32 @!p0 $0x1BF5;
	p2 =	por !p2, p0  }
0x20: {  	[sflag:s8] =	ssyncset.s32 @!p0 $0xFFFFF086;
	s6 =	sadd.s32 @!p0 s3, s7;
	s7 =	simm.s32 @!p0 $0x108  }
0x21: {  	s3 =	sadd.s32 s3, s9;
	s6 =	sadd.s32 @!p0 $0x88, s6;
	s7 =	simm.s32 @p2 $0x1082  }
0x22: {  	[simem:s7], [sflag:s8] =	dma.local @!p0 [hbm:s6], $0xF7A  }
0x23: {  	s9 =	sor.u32 $0xD0000000, s2;
	s6 =	simm.s32 $0x108;
	_ =	swait.ge @!p0 [sflag:s8], $0x0  }
0x24: {  	s3 =	sadd.s32 $0x88, s3;
	s6 =	simm.s32 @!p1 $0x1082;
	[sflag:s4] =	ssyncset.s32 $0xFFFFF086  }
0x25: {  	[simem:s6], [sflag:s4] =	dma.local [hbm:s3], $0xF7A  }
0x26: {  	[smem:$0x3F99] =	sst s1;
	(tag) =	ssettag s2;
	_ =	strace s9  }
0x27: {  	s1 =	sld [smem:$0x3FA9]  }
0x28: {  	s2 =	sld [smem:$0x3FAA]  }
0x29: {  	s4 =	sld [smem:$0x3FAC]  }
0x2a: {  	p0 =	seq.s32 s5, $0x0;
	s5 =	sld [smem:$0x3FAD]  }
0x2b: {  	s6 =	sld [smem:$0x3FAE]  }
0x2c: {  	s7 =	sld [smem:$0x3FAF]  }
0x2d: {  	s3 =	simm.s32 $0x108;
	s8 =	sld [smem:$0x3FB0]  }
0x2e: {  	s3 =	simm.s32 @!p0 $0x1082;
	s9 =	sld [smem:$0x3FB1]  }
0x2f: {  	lr =	sadd.s32 s0, s3;
	s0 =	sld [smem:$0x3FA8]  }
0x30: {  	s3 =	sld [smem:$0x3FAB]  }
0x31: {  	[smem:$0x3FB4] =	sst s10  }
0x32: {  	s10 =	sld [smem:$0x3FB2];
	_ =	sdelay $0x3  }
0x33: {  	p0 =	seq.s32 s10, $0x1;
	s10 =	sld [smem:$0x3FB4];
	_ =	sdelay $0x3  }
0x34: {  	[smem:$0x3FB4] =	sst s10  }
0x35: {  	s10 =	sld [smem:$0x3FB3];
	_ =	sdelay $0x3  }
0x36: {  	p1 =	seq.s32 s10, $0x1;
	s10 =	sld [smem:$0x3FB4];
	_ =	sdelay $0x3  }
0x37: {  	[smem:$0x3FB4] =	sst s10  }
0x38: {  	s10 =	sld [smem:$0x3FB5]  }
0x39: {  	_ = 	snop;
	(pc) =	sbr.ind lr, $3  }
0x3a: {  	_ = 	snop  }
0x3b: {  	_ = 	snop  }
0x3c: {  	p2 =	seq.s32 s10, $0x1;
	s10 =	sld [smem:$0x3FB4]  }
0x3d: {  	_ =	shalt  }
0x3e: {  	_ =	shalt  }
0x3f: {  	_ =	shalt  }
0x40: {  	_ =	shalt  }
0x41: {  	_ =	shalt  }
0x42: {  	_ =	shalt  }
0x43: {  	_ =	shalt  }
0x44: {  	_ =	shalt  }
0x45: {  	_ =	shalt  }
0x46: {  	_ =	shalt  }
0x47: {  	_ =	shalt  }
0x48: {  	_ =	shalt  }
0x49: {  	_ =	shalt  }
0x4a: {  	_ =	shalt  }
0x4b: {  	_ =	shalt  }
0x4c: {  	_ =	shalt  }
0x4d: {  	_ =	shalt  }
0x4e: {  	_ =	shalt  }
0x4f: {  	_ =	shalt  }
0x50: {  	_ =	shalt  }
0x51: {  	_ =	shalt  }
0x52: {  	_ =	shalt  }
0x53: {  	_ =	shalt  }
0x54: {  	_ =	shalt  }
0x55: {  	_ =	shalt  }
0x56: {  	_ =	shalt  }
0x57: {  	_ =	shalt  }
0x58: {  	_ =	shalt  }
0x59: {  	_ =	shalt  }
0x5a: {  	_ =	shalt  }
0x5b: {  	_ =	shalt  }
0x5c: {  	_ =	shalt  }
0x5d: {  	_ =	shalt  }
0x5e: {  	_ =	shalt  }
0x5f: {  	_ =	shalt  }
0x60: {  	_ =	shalt  }
0x61: {  	_ =	shalt  }
0x62: {  	_ =	shalt  }
0x63: {  	_ =	shalt  }
0x64: {  	_ =	shalt  }
0x65: {  	_ =	shalt  }
0x66: {  	_ =	shalt  }
0x67: {  	_ =	shalt  }
0x68: {  	_ =	shalt  }
0x69: {  	_ =	shalt  }
0x6a: {  	_ =	shalt  }
0x6b: {  	_ =	shalt  }
0x6c: {  	_ =	shalt  }
0x6d: {  	_ =	shalt  }
0x6e: {  	_ =	shalt  }
0x6f: {  	_ =	shalt  }
0x70: {  	_ =	shalt  }
0x71: {  	_ =	shalt  }
0x72: {  	_ =	shalt  }
0x73: {  	_ =	shalt  }
0x74: {  	_ =	shalt  }
0x75: {  	_ =	shalt  }
0x76: {  	_ =	shalt  }
0x77: {  	_ =	shalt  }
0x78: {  	_ =	shalt  }
0x79: {  	_ =	shalt  }
0x7a: {  	_ =	shalt  }
0x7b: {  	_ =	shalt  }
0x7c: {  	_ =	shalt  }
0x7d: {  	_ =	shalt  }
0x7e: {  	_ =	shalt  }
0x7f: {  	_ =	shalt  }
0x80: {  	_ =	shalt  }
0x81: {  	_ =	shalt  }
0x82: {  	_ =	shalt  }
0x83: {  	_ =	shalt  }
0x84: {  	_ =	shalt  }
0x85: {  	_ =	shalt  }
0x86: {  	_ =	shalt  }
0x87: {  	_ =	shalt  }
.Lfunc_end0:
.L_simem_size_0:
called_computation.2_lowered:
.L_overlay_start_0:
0x88: {  	s2 =	sld [smem:$0x3FD9]  }
0x89: {  	s3 =	sld [smem:$0x3FFE];
	_ =	sdelay $0x1  }
0x8a: {  	s1 =	srdreg.scid  }
0x8b: {  	s0 =	sand.u32 $0x1, s1  }
0x8c: {  	s17 =	sshll.u32 s0, $0xA;
	s2 =	sadd.s32 s3, s2  }
0x8d: {  	s2 =	sadd.s32 s2, s17  }
0x8e: {  	[smem:$0x3FC0] =	sst s2  }
0x8f: {  	_ = 	snop  }
0x90: {  	s2 =	sld [smem:$0x3FD0];
	(tm) =	ssettm $0x1  }
0x91: {  	s18 =	sld [smem:$0x3FFB];
	_ =	sdelay $0x3  }
0x92: {  	_ =	strace s18  }
0x93: {  	s3 =	sld [smem:$0x3FFC];
	_ =	sdelay $0x3  }
0x94: {  	_ =	strace s3  }
0x95: {  	s3 =	sld [smem:$0x3FFD];
	_ =	sdelay $0x3  }
0x96: {  	_ =	strace s3  }
0x97: {  	_ =	strace $0x8FFFFFFF  }
0x98: {  	s19 =	sld [smem:$0x3FDB];
	_ =	sdelay $0x1  }
0x99: {  	s4 =	simm.s32 $_scs_section_size  }
0x9a: {  	s5 =	simm.s32 $_size__tile_overlayer_lowered;
	s6 =	simm.s32 $_tile_overlayer_lowered  }
0x9b: {  	s22 =	simm.s32 $0x1BFF;
	s21 =	sshll.u32 s6, $0x1;
	s3 =	sadd.s32 s4, s19  }
0x9c: {  	s7 =	simm.s32 $0x0;
	s20 =	sshll.u32 s5, $0x1;
	s5 =	sadd.s32 s21, s3  }
0x9d: {  	[timem:s7], [sflag:s22] =	dma.local [hbm:s5], s20  }
0x9e: {  	_ =	swait.ge [sflag:s22], s20  }
0x9f: {  	s4 =	ssub.s32 $0x0, s20;
	[sflag:s22] =	ssyncset.done $0x0  }
0xa0: {  	[sflag:s22] =	ssyncadd.s32 s4;
	_ =	sdelay $0x1  }
0xa1: {  	s23 =	simm.s32 $0x1B8B  }
0xa2: {  	_ =	swait.ge [sflag:s23], $0x1  }
0xa3: {  	[sflag:s23] =	ssyncset.done $0x0  }
0xa4: {  	s25 =	simm.s32 $0x1B8E;
	s24 =	sld [smem:$0x3FFE];
	[sflag:s23] =	ssyncadd.s32 $0xFFFFFFFF  }
0xa5: {  	s26 =	simm.s32 $execute0_lowered;
	[smem:$0x3FD2] =	sst s25  }
0xa6: {  	s5 =	sshll.u32 s26, $0x1;
	_ =	strace $0x8000004C;
	[dreg:$0x1] =	wrdreg $0xFFFFFFFF  }
0xa7: {  	s28 =	simm.s32 $_size_execute0_lowered;
	s3 =	sadd.s32 s3, s5;
	[dreg:$0x0] =	wrdreg $0x0  }
0xa8: {  	s5 =	sshll.u32 s28, $0x1;
	[dreg:$0x2] =	wrdreg s3  }
0xa9: {  	[dreg:$0x3] =	wrdreg s5  }
0xaa: {  	[dreg:$0x4] =	wrdreg $0xC0  }
0xab: {  	_ =	task [dreg:s7], $0x5FFFF  }
0xac: {  	[dreg:$0x1] =	wrdreg $0xFFFFFFFF  }
0xad: {  	[dreg:$0x0] =	wrdreg $0x60  }
0xae: {  	[dreg:$0x2] =	wrdreg s24  }
0xaf: {  	[dreg:$0x3] =	wrdreg s2  }
0xb0: {  	[dreg:$0x4] =	wrdreg $0x0  }
0xb1: {  	[dreg:$0x5] =	wrdreg $0x9  }
0xb2: {  	_ =	task.clear_ibuf [dreg:s7], $0x6FFFF;
	_ =	strace $0x9000004C  }
0xb3: {  	s29 =	simm.s32 $0x9;
	_ =	strace $0x8000004E  }
0xb4: {  	_ =	swait.ge [sflag:s29], $0x1  }
0xb5: {  	[sflag:s29] =	ssyncadd.s32 $0xFFFFFFFF  }
0xb6: {  	_ =	strace $0x9000004E  }
0xb7: {  	_ =	sfence  }
0xb8: {  	s30 =	sld [smem:$0x0];
	_ =	sdelay $0x2  }
0xb9: {  	s31 =	sshll.u32 s1, $0xD;
	s1 =	sshrl.u32 s1, $0x2  }
0xba: {  	s3 =	sand.u32 $0x4000, s31;
	s1 =	sadd.s32 s1, s30  }
0xbb: {  	s0 =	sor.u32 s3, s0;
	s1 =	sshll.u32 s1, $0x11  }
0xbc: {  	s0 =	sor.u32 s1, s0  }
0xbd: {  	s0 =	sadd.s32 $0x8F2B, s0  }
0xbe: {  	[sflag:s0] =	ssyncadd.remote.s32 $0x1  }
0xbf: {  	_ =	sfence.sel $0xFFFF  }
0xc0: {  	[dreg:$0x0] =	wrdreg $0xFFFFFFFF;
	(pc) =	sbr.abs _section_cstart, $3  }
0xc1: {  	[dreg:$0x1] =	wrdreg $0xFFFFFFFF  }
0xc2: {  	_ =	task.clear_ibuf [dreg:s7], $0x2FFFF;
	_ =	strace $0x9FFFFFFF  }
0xc3: {  	(tm) =	ssettm $0x7FFFFFFF  }
tec
execute0_lowered:
.L_overlay_start_1:
0x0: {  	(tag) =	ssettag $0x1  }
0x1: {  	s6 =	rddreg [dreg:$0x0]  }
0x2: {  	s8 =	rddreg [dreg:$0x1];
	s0 =	srdreg.scid  }
0x3: {  	s1 =	rddreg [dreg:$0x2];
	s3 =	simm.s32 $0x0;
	s2 =	stileid.u32  }
0x4: {  	s14 =	simm.s32 $0x14080;
	s15 =	simm.s32 $0x80;
	s10 =	smul.u32 $0x14000, s2  }
0x5: {  	s16 =	simm.s32 $0x14100;
	s17 =	simm.s32 $0x1;
	s12 =	smul.u32 $0x50000, s2  }
0x6: {  	s5 =	sand.u32 $0x1, s0;
	s0 =	rddreg [dreg:$0x3];
	s30 =	smul.u32 $0x500, s2  }
0x7: {  	s18 =	simm.s32 $0x0;
	[smem:$0x7FF] =	sst s3;
	s9 =	smul.u32 $0x5000, s5  }
0x8: {  	s4 =	sadd.s32 $0xD400, s6;
	s29 =	sshll.u32 s2, $0x6;
	s7 =	smul.u32 $0x140000, s5  }
0x9: {  	_ =	strace $0x8000004D;
	s26 =	ssub.s32 $0x2, s5;
	s5 =	sadd.s32 $0x34600, s6  }
0xa: {  	s13 =	sshrl.u32 s26, $0x1;
	s28 =	sshrl.u32 s12, $0x2;
	s11 =	sadd.s32 s9, s6  }
0xb: {  	s7 =	sadd.s32 s10, s7;
	s10 =	ssub.s32 s26, s13;
	s12 =	sadd.s32 s28, s1  }
0xc: {  	s9 =	sadd.s32 s9, s8;
	s13 =	simm.s32 $0x14000;
	s7 =	sshrl.u32 s7, $0x3  }
0xd: {  	s8 =	smax.u32 s10, $0x1;
	s9 =	sadd.s32 s30, s9;
	s31 =	sadd.s32 s30, s11  }
0xe: {  	s11 =	sshrl.u32 s12, $0x3;
	s12 =	simm.s32 $0x2;
	s7 =	sadd.s32 s7, s6  }
0xf: {  	s6 =	sor.u32 $0x1C02, s29;
	s10 =	sadd.s32 $0x3400, s31;
	s7 =	sadd.s32 $0x36E00, s7  }
.LBB2_1:
0x10: {  	[spmem:s11], [sflag:s6] =	dma.local [hbm:s5], $0x2800  }
0x11: {  	_ =	swait.ge [sflag:s12], $0x2800  }
0x12: {  	[sflag:s12] =	ssyncset.done $0x0  }
0x13: {  	[sflag:s12] =	ssyncadd.s32 $0xFFFFD800  }
0x14: {  	s19 =	sadd.s32 $0x0, s10;
	[bflag:$0x0] =	sbarrier.arrive $0xFFFF  }
0x15: {  	[tilespmem:s13], [sflag:$0x2] =	stream.linear.gather [hbm4b:s19+s3], $0x80, $0x38;
	[tilespmem:$0x18100] =	vst v63  }
0x16: {  	_ =	swait.ge [sflag:s12], $0x80  }
0x17: {  	[sflag:s12] =	ssyncset.done $0x0  }
0x18: {  	s31 =	sadd.s32 $0x0, s9;
	[sflag:s12] =	ssyncadd.s32 $0xFFFFFF80  }
0x19: {  	[tilespmem:s14], [sflag:$0x2] =	stream.linear.gather [hbm4b:s31+s3], $0x80, $0x38;
	[tilespmem:$0x18100] =	vst v63  }
0x1a: {  	_ =	swait.ge [sflag:s12], $0x80  }
0x1b: {  	[sflag:s12] =	ssyncset.done $0x0  }
0x1c: {  	[sflag:s12] =	ssyncadd.s32 $0xFFFFFF80  }
0x1d: {  	[tilespmem:s16], [sflag:$0x1] =	stream.indirect.gather [hbm4b:s4+s15], $0x80, s13, s15, $0xb8;
	[tilespmem:$0x18100] =	vst v63  }
0x1e: {  	_ =	swait.ge [sflag:s17], $0x4000  }
0x1f: {  	[sflag:s17] =	ssyncset.done $0x0  }
0x20: {  	[sflag:s17] =	ssyncadd.s32 $0xFFFFC000  }
0x21: {  	[spmem:s1] =	stream.indirect.scatter.add.f32 [tilespmem:s16], [sflag:$0x2], $0x80, s14, s15, $0xb8;
	[tilespmem:$0x18100] =	vst v63  }
0x22: {  	_ =	swait.ge [sflag:s12], $0x4000  }
0x23: {  	s20 =	simm.s32 $0x20;
	s19 =	simm.s32 $0x10;
	[sflag:s12] =	ssyncset.done $0x0  }
.LBB2_2:
0x24: {  	s21 =	sadd.s32 s19, s10  }
0x25: {  	[sflag:s12] =	ssyncadd.s32 $0xFFFFC000;
	s22 =	smov.u32 s20;
	s23 =	sadd.s32 $0x10, s20  }
0x26: {  	[tilespmem:s13], [sflag:$0x2] =	stream.linear.gather [hbm4b:s21+s3], $0x80, $0x38;
	[tilespmem:$0x18100] =	vst v63  }
0x27: {  	p0 =	sne.s32 s20, $0x4F0;
	_ =	swait.ge [sflag:s12], $0x80  }
0x28: {  	[sflag:s12] =	ssyncset.done $0x0  }
0x29: {  	s20 =	sadd.s32 s19, s9;
	s19 =	smov.u32 s22;
	[sflag:s12] =	ssyncadd.s32 $0xFFFFFF80  }
0x2a: {  	[tilespmem:s14], [sflag:$0x2] =	stream.linear.gather [hbm4b:s20+s3], $0x80, $0x38;
	[tilespmem:$0x18100] =	vst v63  }
0x2b: {  	_ =	swait.ge [sflag:s12], $0x80  }
0x2c: {  	[sflag:s12] =	ssyncset.done $0x0  }
0x2d: {  	[sflag:s12] =	ssyncadd.s32 $0xFFFFFF80  }
0x2e: {  	[tilespmem:s16], [sflag:$0x1] =	stream.indirect.gather [hbm4b:s4+s15], $0x80, s13, s15, $0xb8;
	[tilespmem:$0x18100] =	vst v63  }
0x2f: {  	_ =	swait.ge [sflag:s17], $0x4000  }
.Ltmp0:
0x30: {  	[sflag:s17] =	ssyncset.done $0x0;
	(pc) =	sbr.rel @p0 .LBB2_2-.Ltmp0, $4  }
0x31: {  	[sflag:s17] =	ssyncadd.s32 $0xFFFFC000  }
0x32: {  	[spmem:s1] =	stream.indirect.scatter.add.f32 [tilespmem:s16], [sflag:$0x2], $0x80, s14, s15, $0xb8;
	[tilespmem:$0x18100] =	vst v63  }
0x33: {  	_ =	swait.ge [sflag:s12], $0x4000  }
0x34: {  	s20 =	smov.u32 s23;
	[sflag:s12] =	ssyncset.done $0x0  }
0x35: {  	s20 =	sadd.s32 s19, s10;
	[sflag:s12] =	ssyncadd.s32 $0xFFFFC000  }
0x36: {  	[tilespmem:s13], [sflag:$0x2] =	stream.linear.gather [hbm4b:s20+s3], $0x80, $0x38;
	[tilespmem:$0x18100] =	vst v63  }
0x37: {  	_ =	swait.ge [sflag:s12], $0x80  }
0x38: {  	[sflag:s12] =	ssyncset.done $0x0  }
0x39: {  	s31 =	sadd.s32 s19, s9;
	[sflag:s12] =	ssyncadd.s32 $0xFFFFFF80  }
0x3a: {  	[tilespmem:s14], [sflag:$0x2] =	stream.linear.gather [hbm4b:s31+s3], $0x80, $0x38;
	[tilespmem:$0x18100] =	vst v63  }
0x3b: {  	_ =	swait.ge [sflag:s12], $0x80  }
0x3c: {  	[sflag:s12] =	ssyncset.done $0x0  }
0x3d: {  	[sflag:s12] =	ssyncadd.s32 $0xFFFFFF80  }
0x3e: {  	[tilespmem:s16], [sflag:$0x1] =	stream.indirect.gather [hbm4b:s4+s15], $0x80, s13, s15, $0xb8;
	[tilespmem:$0x18100] =	vst v63  }
0x3f: {  	_ =	swait.ge [sflag:s17], $0x4000  }
0x40: {  	[sflag:s17] =	ssyncset.done $0x0  }
0x41: {  	[sflag:s17] =	ssyncadd.s32 $0xFFFFC000  }
0x42: {  	[spmem:s1] =	stream.indirect.scatter.add.f32 [tilespmem:s16], [sflag:$0x2], $0x80, s14, s15, $0xb8;
	[tilespmem:$0x18100] =	vst v63  }
0x43: {  	_ =	swait.ge [sflag:s12], $0x4000  }
0x44: {  	s18 =	sadd.s32 $0x1, s18;
	[sflag:s12] =	ssyncset.done $0x0  }
0x45: {  	p0 =	sne.s32 s18, s8;
	[sflag:s12] =	ssyncadd.s32 $0xFFFFC000  }
.Ltmp1:
0x46: {  	[bflag:$0x0] =	sbarrier.arrive $0xFFFF;
	(pc) =	sbr.rel @p0 .LBB2_1-.Ltmp1, $4  }
0x47: {  	[hbm:s7], [sflag:s6] =	dma.local [spmem:s11], $0x2800  }
0x48: {  	_ =	swait.ge [sflag:s12], $0x2800  }
0x49: {  	[sflag:s12] =	ssyncset.done $0x0  }
0x4a: {  	[sflag:s12] =	ssyncadd.s32 $0xFFFFD800  }
0x4b: {  	_ =	sfence.sel $0x180000  }
0x4c: {  	[bflag:$0x0] =	sbarrier.arrive $0xFFFF  }
0x4d: {  	p0 =	sne.s32 s2, $0x0;
	_ =	strace $0x9000004D  }
0x4e: {  	s0 =	sadd.s32 @!p0 $0x100000, s0;
	[bflag:$0x2] =	sbarrier.arrive $0xFFFF  }
0x4f: {  	[sflag:s0] =	ssyncadd.tile.s32 @!p0 $0x1;
	_ =	shalt  }
.Lfunc_end2:
_tile_overlayer_lowered:
.L_overlay_start_2:
0x50: {  	(tag) =	ssettag $0x2  }
0x51: {  	s0 =	rddreg [dreg:$0x0];
	s2 =	stileid.u32  }
0x52: {  	s1 =	rddreg [dreg:$0x1];
	p0 =	sne.s32 s2, $0x0  }
0x53: {  	s3 =	rddreg [dreg:$0x2];
	[bflag:$0x3] =	sbarrier.arrive $0xFFFF;
	s2 =	simm.s32 @!p0 $0x1C02  }
0x54: {  	[timem:s3], [sflag:s2] =	dma.local @!p0 [hbm:s0], s1  }
0x55: {  	s0 =	simm.s32 @!p0 $0x2  }
0x56: {  	_ =	swait.ge @!p0 [sflag:s0], s1  }
0x57: {  	s1 =	ssub.s32 @!p0 $0x0, s1;
	[sflag:s0] =	ssyncset.done @!p0 $0x0  }
0x58: {  	[sflag:s0] =	ssyncadd.s32 @!p0 s1  }
0x59: {  	[bflag:$0x3] =	sbarrier.arrive $0xFFFF  }
0x5a: {  	_ =	shalt  }

// kernel: kernel.8.cloned.1.call-start
scs
__scs_entry_jumppad:
0x0: {  	(pc) =	sbr.rel $0x88, $3  }
0x1: {  	(tag) =	ssettag $0x0;
	lr =	simm.s32 $0x1  }
0x2: {  	[smem:$0x3F99] =	sst lr;
	_ =	strace $0xD0000000  }
0x3: {  	_ = 	snop  }
0x4: {  	_ = 	snop  }
0x5: {  	_ = 	snop  }
0x6: {  	_ = 	snop  }
0x7: {  	_ = 	snop  }
__scs_overlays_trampoline_lowered:
0x8: {  	[smem:$0x3FA8] =	sst s0  }
0x9: {  	[smem:$0x3FA9] =	sst s1  }
0xa: {  	[smem:$0x3FAA] =	sst s2  }
0xb: {  	[smem:$0x3FAB] =	sst s3  }
0xc: {  	[smem:$0x3FAC] =	sst s4  }
0xd: {  	[smem:$0x3FAD] =	sst s5  }
0xe: {  	[smem:$0x3FAE] =	sst s6  }
0xf: {  	[smem:$0x3FAF] =	sst s7  }
0x10: {  	[smem:$0x3FB0] =	sst s8  }
0x11: {  	[smem:$0x3FB1] =	sst s9;
	s0 =	simm.s32 @!p0 $0x0  }
0x12: {  	s1 =	sld [smem:$0x3F97];
	s0 =	simm.s32 @p0 $0x1  }
0x13: {  	[smem:$0x3FB2] =	sst s0;
	s0 =	simm.s32 @!p1 $0x0  }
0x14: {  	s2 =	sld [smem:$0x3F96];
	s0 =	simm.s32 @p1 $0x1  }
0x15: {  	[smem:$0x3FB3] =	sst s0;
	s0 =	simm.s32 @!p2 $0x0  }
0x16: {  	s3 =	sld [smem:$0x3FDB];
	s0 =	simm.s32 @p2 $0x1  }
0x17: {  	s4 =	simm.s32 $0x1BF5;
	[smem:$0x3FB5] =	sst s0  }
0x18: {  	s0 =	sld [smem:$0x3F98];
	_ =	swait.ge [sflag:s4], $0x0  }
0x19: {  	s7 =	sld [smem:$0x3F99]  }
0x1a: {  	s8 =	sadd.s32 $0xFFFFE003, lr  }
0x1b: {  	s9 =	sadd.s32 $0xFFFFFEF7, lr;
	s5 =	simm.s32 $0xFFFFFFFF;
	p2 =	slt.u32 s8, $0xFFFFF086  }
0x1c: {  	p1 =	slt.u32 s9, $0xF7A;
	s5 =	simm.s32 @!p2 $0x0  }
0x1d: {  	s5 =	simm.s32 @p1 $0x1;
	p0 =	seq.s32 s7, s2  }
0x1e: {  	s7 =	smul.u32 @!p0 $0xF7A, s2;
	p2 =	seq.s32 @!p0 s5, $0x0  }
0x1f: {  	s9 =	smul.u32 $0xF7A, s1;
	s8 =	simm.s32 @!p0 $0x1BF5;
	p2 =	por !p2, p0  }
0x20: {  	[sflag:s8] =	ssyncset.s32 @!p0 $0xFFFFF086;
	s6 =	sadd.s32 @!p0 s3, s7;
	s7 =	simm.s32 @!p0 $0x108  }
0x21: {  	s3 =	sadd.s32 s3, s9;
	s6 =	sadd.s32 @!p0 $0x88, s6;
	s7 =	simm.s32 @p2 $0x1082  }
0x22: {  	[simem:s7], [sflag:s8] =	dma.local @!p0 [hbm:s6], $0xF7A  }
0x23: {  	s9 =	sor.u32 $0xD0000000, s2;
	s6 =	simm.s32 $0x108;
	_ =	swait.ge @!p0 [sflag:s8], $0x0  }
0x24: {  	s3 =	sadd.s32 $0x88, s3;
	s6 =	simm.s32 @!p1 $0x1082;
	[sflag:s4] =	ssyncset.s32 $0xFFFFF086  }
0x25: {  	[simem:s6], [sflag:s4] =	dma.local [hbm:s3], $0xF7A  }
0x26: {  	[smem:$0x3F99] =	sst s1;
	(tag) =	ssettag s2;
	_ =	strace s9  }
0x27: {  	s1 =	sld [smem:$0x3FA9]  }
0x28: {  	s2 =	sld [smem:$0x3FAA]  }
0x29: {  	s4 =	sld [smem:$0x3FAC]  }
0x2a: {  	p0 =	seq.s32 s5, $0x0;
	s5 =	sld [smem:$0x3FAD]  }
0x2b: {  	s6 =	sld [smem:$0x3FAE]  }
0x2c: {  	s7 =	sld [smem:$0x3FAF]  }
0x2d: {  	s3 =	simm.s32 $0x108;
	s8 =	sld [smem:$0x3FB0]  }
0x2e: {  	s3 =	simm.s32 @!p0 $0x1082;
	s9 =	sld [smem:$0x3FB1]  }
0x2f: {  	lr =	sadd.s32 s0, s3;
	s0 =	sld [smem:$0x3FA8]  }
0x30: {  	s3 =	sld [smem:$0x3FAB]  }
0x31: {  	[smem:$0x3FB4] =	sst s10  }
0x32: {  	s10 =	sld [smem:$0x3FB2];
	_ =	sdelay $0x3  }
0x33: {  	p0 =	seq.s32 s10, $0x1;
	s10 =	sld [smem:$0x3FB4];
	_ =	sdelay $0x3  }
0x34: {  	[smem:$0x3FB4] =	sst s10  }
0x35: {  	s10 =	sld [smem:$0x3FB3];
	_ =	sdelay $0x3  }
0x36: {  	p1 =	seq.s32 s10, $0x1;
	s10 =	sld [smem:$0x3FB4];
	_ =	sdelay $0x3  }
0x37: {  	[smem:$0x3FB4] =	sst s10  }
0x38: {  	s10 =	sld [smem:$0x3FB5]  }
0x39: {  	_ = 	snop;
	(pc) =	sbr.ind lr, $3  }
0x3a: {  	_ = 	snop  }
0x3b: {  	_ = 	snop  }
0x3c: {  	p2 =	seq.s32 s10, $0x1;
	s10 =	sld [smem:$0x3FB4]  }
0x3d: {  	_ =	shalt  }
0x3e: {  	_ =	shalt  }
0x3f: {  	_ =	shalt  }
0x40: {  	_ =	shalt  }
0x41: {  	_ =	shalt  }
0x42: {  	_ =	shalt  }
0x43: {  	_ =	shalt  }
0x44: {  	_ =	shalt  }
0x45: {  	_ =	shalt  }
0x46: {  	_ =	shalt  }
0x47: {  	_ =	shalt  }
0x48: {  	_ =	shalt  }
0x49: {  	_ =	shalt  }
0x4a: {  	_ =	shalt  }
0x4b: {  	_ =	shalt  }
0x4c: {  	_ =	shalt  }
0x4d: {  	_ =	shalt  }
0x4e: {  	_ =	shalt  }
0x4f: {  	_ =	shalt  }
0x50: {  	_ =	shalt  }
0x51: {  	_ =	shalt  }
0x52: {  	_ =	shalt  }
0x53: {  	_ =	shalt  }
0x54: {  	_ =	shalt  }
0x55: {  	_ =	shalt  }
0x56: {  	_ =	shalt  }
0x57: {  	_ =	shalt  }
0x58: {  	_ =	shalt  }
0x59: {  	_ =	shalt  }
0x5a: {  	_ =	shalt  }
0x5b: {  	_ =	shalt  }
0x5c: {  	_ =	shalt  }
0x5d: {  	_ =	shalt  }
0x5e: {  	_ =	shalt  }
0x5f: {  	_ =	shalt  }
0x60: {  	_ =	shalt  }
0x61: {  	_ =	shalt  }
0x62: {  	_ =	shalt  }
0x63: {  	_ =	shalt  }
0x64: {  	_ =	shalt  }
0x65: {  	_ =	shalt  }
0x66: {  	_ =	shalt  }
0x67: {  	_ =	shalt  }
0x68: {  	_ =	shalt  }
0x69: {  	_ =	shalt  }
0x6a: {  	_ =	shalt  }
0x6b: {  	_ =	shalt  }
0x6c: {  	_ =	shalt  }
0x6d: {  	_ =	shalt  }
0x6e: {  	_ =	shalt  }
0x6f: {  	_ =	shalt  }
0x70: {  	_ =	shalt  }
0x71: {  	_ =	shalt  }
0x72: {  	_ =	shalt  }
0x73: {  	_ =	shalt  }
0x74: {  	_ =	shalt  }
0x75: {  	_ =	shalt  }
0x76: {  	_ =	shalt  }
0x77: {  	_ =	shalt  }
0x78: {  	_ =	shalt  }
0x79: {  	_ =	shalt  }
0x7a: {  	_ =	shalt  }
0x7b: {  	_ =	shalt  }
0x7c: {  	_ =	shalt  }
0x7d: {  	_ =	shalt  }
0x7e: {  	_ =	shalt  }
0x7f: {  	_ =	shalt  }
0x80: {  	_ =	shalt  }
0x81: {  	_ =	shalt  }
0x82: {  	_ =	shalt  }
0x83: {  	_ =	shalt  }
0x84: {  	_ =	shalt  }
0x85: {  	_ =	shalt  }
0x86: {  	_ =	shalt  }
0x87: {  	_ =	shalt  }
.Lfunc_end0:
.L_simem_size_0:
called_computation_lowered:
.L_overlay_start_0:
0x88: {  	s2 =	sld [smem:$0x3FD9]  }
0x89: {  	s3 =	sld [smem:$0x3FFE];
	_ =	sdelay $0x1  }
0x8a: {  	s1 =	srdreg.scid  }
0x8b: {  	s0 =	sand.u32 $0x1, s1  }
0x8c: {  	s17 =	sshll.u32 s0, $0xA;
	s2 =	sadd.s32 s3, s2  }
0x8d: {  	s2 =	sadd.s32 s2, s17  }
0x8e: {  	[smem:$0x3FC0] =	sst s2  }
0x8f: {  	_ = 	snop  }
0x90: {  	s2 =	sld [smem:$0x3FD0];
	(tm) =	ssettm $0x1  }
0x91: {  	s18 =	sld [smem:$0x3FFB];
	_ =	sdelay $0x3  }
0x92: {  	_ =	strace s18  }
0x93: {  	s3 =	sld [smem:$0x3FFC];
	_ =	sdelay $0x3  }
0x94: {  	_ =	strace s3  }
0x95: {  	s3 =	sld [smem:$0x3FFD];
	_ =	sdelay $0x3  }
0x96: {  	_ =	strace s3  }
0x97: {  	_ =	strace $0x8FFFFFFF  }
0x98: {  	s19 =	sld [smem:$0x3FDB];
	_ =	sdelay $0x1  }
0x99: {  	s4 =	simm.s32 $_scs_section_size  }
0x9a: {  	s5 =	simm.s32 $_size__tile_overlayer_lowered;
	s6 =	simm.s32 $_tile_overlayer_lowered  }
0x9b: {  	s22 =	simm.s32 $0x1BFF;
	s21 =	sshll.u32 s6, $0x1;
	s3 =	sadd.s32 s4, s19  }
0x9c: {  	s7 =	simm.s32 $0x0;
	s20 =	sshll.u32 s5, $0x1;
	s5 =	sadd.s32 s21, s3  }
0x9d: {  	[timem:s7], [sflag:s22] =	dma.local [hbm:s5], s20  }
0x9e: {  	_ =	swait.ge [sflag:s22], s20  }
0x9f: {  	s4 =	ssub.s32 $0x0, s20;
	[sflag:s22] =	ssyncset.done $0x0  }
0xa0: {  	[sflag:s22] =	ssyncadd.s32 s4;
	_ =	sdelay $0x1  }
0xa1: {  	s23 =	simm.s32 $0x1B8B  }
0xa2: {  	_ =	swait.ge [sflag:s23], $0x1  }
0xa3: {  	[sflag:s23] =	ssyncset.done $0x0  }
0xa4: {  	s25 =	simm.s32 $0x1B8E;
	s24 =	sld [smem:$0x3FFE];
	[sflag:s23] =	ssyncadd.s32 $0xFFFFFFFF  }
0xa5: {  	s26 =	simm.s32 $execute0_lowered;
	[smem:$0x3FD2] =	sst s25  }
0xa6: {  	s5 =	sshll.u32 s26, $0x1;
	_ =	strace $0x80000046;
	[dreg:$0x1] =	wrdreg $0xFFFFFFFF  }
0xa7: {  	s28 =	simm.s32 $_size_execute0_lowered;
	s3 =	sadd.s32 s3, s5;
	[dreg:$0x0] =	wrdreg $0x0  }
0xa8: {  	s5 =	sshll.u32 s28, $0x1;
	[dreg:$0x2] =	wrdreg s3  }
0xa9: {  	[dreg:$0x3] =	wrdreg s5  }
0xaa: {  	[dreg:$0x4] =	wrdreg $0xC0  }
0xab: {  	_ =	task [dreg:s7], $0x5FFFF  }
0xac: {  	[dreg:$0x1] =	wrdreg $0xFFFFFFFF  }
0xad: {  	[dreg:$0x0] =	wrdreg $0x60  }
0xae: {  	[dreg:$0x2] =	wrdreg s2  }
0xaf: {  	[dreg:$0x3] =	wrdreg s24  }
0xb0: {  	[dreg:$0x4] =	wrdreg $0x0  }
0xb1: {  	[dreg:$0x5] =	wrdreg $0x9  }
0xb2: {  	_ =	task.clear_ibuf [dreg:s7], $0x6FFFF;
	_ =	strace $0x90000046  }
0xb3: {  	s29 =	simm.s32 $0x9;
	_ =	strace $0x80000048  }
0xb4: {  	_ =	swait.ge [sflag:s29], $0x1  }
0xb5: {  	[sflag:s29] =	ssyncadd.s32 $0xFFFFFFFF  }
0xb6: {  	_ =	strace $0x90000048  }
0xb7: {  	_ =	sfence  }
0xb8: {  	s30 =	sld [smem:$0x0];
	_ =	sdelay $0x2  }
0xb9: {  	s31 =	sshll.u32 s1, $0xD;
	s1 =	sshrl.u32 s1, $0x2  }
0xba: {  	s3 =	sand.u32 $0x4000, s31;
	s1 =	sadd.s32 s1, s30  }
0xbb: {  	s0 =	sor.u32 s3, s0;
	s1 =	sshll.u32 s1, $0x11  }
0xbc: {  	s0 =	sor.u32 s1, s0  }
0xbd: {  	s0 =	sadd.s32 $0x8F2B, s0  }
0xbe: {  	[sflag:s0] =	ssyncadd.remote.s32 $0x1  }
0xbf: {  	_ =	sfence.sel $0xFFFF  }
0xc0: {  	[dreg:$0x0] =	wrdreg $0xFFFFFFFF;
	(pc) =	sbr.abs _section_cstart, $3  }
0xc1: {  	[dreg:$0x1] =	wrdreg $0xFFFFFFFF  }
0xc2: {  	_ =	task.clear_ibuf [dreg:s7], $0x2FFFF;
	_ =	strace $0x9FFFFFFF  }
0xc3: {  	(tm) =	ssettm $0x7FFFFFFF  }
tec
execute0_lowered:
.L_overlay_start_1:
0x0: {  	(tag) =	ssettag $0x1  }
0x1: {  	s9 =	rddreg [dreg:$0x0]  }
0x2: {  	s6 =	rddreg [dreg:$0x1]  }
0x3: {  	s2 =	rddreg [dreg:$0x2]  }
0x4: {  	s0 =	rddreg [dreg:$0x3];
	s4 =	srdreg.scid  }
0x5: {  	s1 =	stileid.u32;
	s3 =	simm.s32 $0x0;
	s15 =	simm.s32 $0x20  }
0x6: {  	s16 =	simm.s32 $0x10;
	s17 =	simm.s32 $0x0;
	s7 =	sand.u32 $0x1, s4  }
0x7: {  	s10 =	smul.u32 $0x500, s1;
	[smem:$0x7FF] =	sst s3;
	s4 =	sadd.s32 $0x2800, s6  }
0x8: {  	s12 =	smul.u32 $0xA00, s1;
	s13 =	sshll.u32 s1, $0x6;
	s5 =	sshll.u32 s7, $0x7  }
0x9: {  	_ =	strace $0x80000047;
	s11 =	ssub.s32 $0x2, s7;
	s14 =	smul.u32 $0x5000, s7  }
0xa: {  	s5 =	sor.u32 s5, s10;
	s31 =	sshrl.u32 s11, $0x1;
	s12 =	sshrl.u32 s12, $0x2  }
0xb: {  	s8 =	sshrl.u32 s5, $0x3;
	s5 =	sadd.s32 $0x2600, s6;
	s11 =	ssub.s32 s11, s31  }
0xc: {  	s12 =	sadd.s32 s12, s2;
	s9 =	sadd.s32 s14, s9;
	s14 =	simm.s32 $0x80  }
0xd: {  	s8 =	sadd.s32 s8, s6;
	s6 =	sor.u32 $0x1C01, s13;
	s9 =	sadd.s32 s10, s9  }
0xe: {  	s10 =	sshrl.u32 s12, $0x3;
	s12 =	simm.s32 $0x300;
	s13 =	simm.s32 $0x280  }
0xf: {  	s7 =	sadd.s32 $0x2A00, s8;
	s8 =	smax.u32 s11, $0x1;
	s11 =	simm.s32 $0x1  }
.LBB2_1:
0x10: {  	[spmem:s10], [sflag:s6] =	dma.local [hbm:s5], $0x50  }
0x11: {  	_ =	swait.ge [sflag:s11], $0x50  }
0x12: {  	[sflag:s11] =	ssyncset.done $0x0  }
0x13: {  	[sflag:s11] =	ssyncadd.s32 $0xFFFFFFB0  }
0x14: {  	[tilespmem:s12], [sflag:$0x1] =	stream.linear.gather [hbm4b:s4+s3], $0x80, $0x38;
	[tilespmem:$0x380] =	vst v63  }
0x15: {  	_ =	swait.ge [sflag:s11], $0x80  }
0x16: {  	[sflag:s11] =	ssyncset.done $0x0  }
0x17: {  	[sflag:s11] =	ssyncadd.s32 $0xFFFFFF80  }
0x18: {  	s18 =	sadd.s32 $0x0, s9;
	[bflag:$0x0] =	sbarrier.arrive $0xFFFF  }
0x19: {  	[tilespmem:s13], [sflag:$0x1] =	stream.linear.gather [hbm4b:s18+s3], $0x80, $0x38;
	[tilespmem:$0x380] =	vst v63  }
0x1a: {  	_ =	swait.ge [sflag:s11], $0x80  }
0x1b: {  	[sflag:s11] =	ssyncset.done $0x0  }
0x1c: {  	[sflag:s11] =	ssyncadd.s32 $0xFFFFFF80  }
0x1d: {  	[spmem:s2] =	stream.indirect.scatter.add.f32 [tilespmem:s12], [sflag:$0x1], $0x1, s13, s14, $0xb8;
	[tilespmem:$0x380] =	vst v63  }
0x1e: {  	_ =	swait.ge [sflag:s11], $0x80  }
0x1f: {  	s19 =	simm.s32 $0x20;
	s18 =	simm.s32 $0x10;
	[sflag:s11] =	ssyncset.done $0x0  }
.LBB2_2:
0x20: {  	s20 =	sadd.s32 s18, s9  }
0x21: {  	[sflag:s11] =	ssyncadd.s32 $0xFFFFFF80;
	s18 =	smov.u32 s19;
	s21 =	sadd.s32 $0x10, s19  }
0x22: {  	[tilespmem:s13], [sflag:$0x1] =	stream.linear.gather [hbm4b:s20+s3], $0x80, $0x38;
	[tilespmem:$0x380] =	vst v63  }
0x23: {  	p0 =	sne.s32 s19, $0x4F0;
	_ =	swait.ge [sflag:s11], $0x80  }
.Ltmp0:
0x24: {  	[sflag:s11] =	ssyncset.done $0x0;
	(pc) =	sbr.rel @p0 .LBB2_2-.Ltmp0, $4  }
0x25: {  	[sflag:s11] =	ssyncadd.s32 $0xFFFFFF80  }
0x26: {  	[spmem:s2] =	stream.indirect.scatter.add.f32 [tilespmem:s12], [sflag:$0x1], $0x1, s13, s14, $0xb8;
	[tilespmem:$0x380] =	vst v63  }
0x27: {  	_ =	swait.ge [sflag:s11], $0x80  }
0x28: {  	s19 =	smov.u32 s21;
	[sflag:s11] =	ssyncset.done $0x0  }
0x29: {  	s18 =	sadd.s32 s18, s9;
	[sflag:s11] =	ssyncadd.s32 $0xFFFFFF80  }
0x2a: {  	[tilespmem:s13], [sflag:$0x1] =	stream.linear.gather [hbm4b:s18+s3], $0x80, $0x38;
	[tilespmem:$0x380] =	vst v63  }
0x2b: {  	_ =	swait.ge [sflag:s11], $0x80  }
0x2c: {  	[sflag:s11] =	ssyncset.done $0x0  }
0x2d: {  	[sflag:s11] =	ssyncadd.s32 $0xFFFFFF80  }
0x2e: {  	[spmem:s2] =	stream.indirect.scatter.add.f32 [tilespmem:s12], [sflag:$0x1], $0x1, s13, s14, $0xb8;
	[tilespmem:$0x380] =	vst v63  }
0x2f: {  	_ =	swait.ge [sflag:s11], $0x80  }
0x30: {  	s17 =	sadd.s32 $0x1, s17;
	[sflag:s11] =	ssyncset.done $0x0  }
0x31: {  	p0 =	sne.s32 s17, s8;
	[sflag:s11] =	ssyncadd.s32 $0xFFFFFF80  }
.Ltmp1:
0x32: {  	[bflag:$0x0] =	sbarrier.arrive $0xFFFF;
	(pc) =	sbr.rel @p0 .LBB2_1-.Ltmp1, $4  }
0x33: {  	[hbm:s7@s15], [sflag:s6] =	dma.strided [spmem:s10@s16], $0x50, s11, $0x10   }
0x34: {  	_ =	swait.ge [sflag:s11], $0x50  }
0x35: {  	[sflag:s11] =	ssyncset.done $0x0  }
0x36: {  	[sflag:s11] =	ssyncadd.s32 $0xFFFFFFB0  }
0x37: {  	_ =	sfence.sel $0x180000  }
0x38: {  	[bflag:$0x0] =	sbarrier.arrive $0xFFFF  }
0x39: {  	p0 =	sne.s32 s1, $0x0;
	_ =	strace $0x90000047  }
0x3a: {  	s0 =	sadd.s32 @!p0 $0x100000, s0;
	[bflag:$0x2] =	sbarrier.arrive $0xFFFF  }
0x3b: {  	[sflag:s0] =	ssyncadd.tile.s32 @!p0 $0x1;
	_ =	shalt  }
.Lfunc_end2:
_tile_overlayer_lowered:
.L_overlay_start_2:
0x3c: {  	(tag) =	ssettag $0x2  }
0x3d: {  	s0 =	rddreg [dreg:$0x0];
	s2 =	stileid.u32  }
0x3e: {  	s1 =	rddreg [dreg:$0x1];
	p0 =	sne.s32 s2, $0x0  }
0x3f: {  	s3 =	rddreg [dreg:$0x2];
	[bflag:$0x3] =	sbarrier.arrive $0xFFFF;
	s2 =	simm.s32 @!p0 $0x1C01  }
0x40: {  	[timem:s3], [sflag:s2] =	dma.local @!p0 [hbm:s0], s1  }
0x41: {  	s0 =	simm.s32 @!p0 $0x1  }
0x42: {  	_ =	swait.ge @!p0 [sflag:s0], s1  }
0x43: {  	s1 =	ssub.s32 @!p0 $0x0, s1;
	[sflag:s0] =	ssyncset.done @!p0 $0x0  }
0x44: {  	[sflag:s0] =	ssyncadd.s32 @!p0 s1  }
0x45: {  	[bflag:$0x3] =	sbarrier.arrive $0xFFFF  }
0x46: {  	_ =	shalt  }

</sc_bundles>
